<compile_context>
chip_gen: v7x
topology: tpu7x:2x2x1
jax: 0.10.2.dev20260603
libtpu: 0.0.44.dev20260713+nightly
codegen_flags: <defaults>
</compile_context>

<pallas_src>
import functools

import jax
import jax.numpy as jnp
import numpy as np
from jax import lax
from jax.experimental import pallas as pl
from jax.experimental.pallas import tpu as pltpu
from jax.experimental.pallas import tpu_sc as plsc

F32 = jnp.float32

_NC = 2
_NS = 16
_NW = _NC * _NS
_C = 80


def _ln(h, g, b):
    mu = jnp.mean(h, axis=-1, keepdims=True)
    d = h - mu
    var = jnp.mean(d * d, axis=-1, keepdims=True)
    return d / jnp.sqrt(var + 1e-5) * g + b


def _pack_bf16(v):
    d2 = v.shape[-1] // 2
    b = lax.bitcast_convert_type(v, jnp.uint32)
    r = (b + jnp.uint32(0x7FFF) + ((b >> 16) & jnp.uint32(1))) >> 16
    lo, hi = r[:, :d2], r[:, d2:]
    return lax.bitcast_convert_type((hi << 16) | lo, jnp.int32)


def _pre_body(x_ref, w1a_ref, w1b_ref, xa_ref, xb_ref):
    xblk = x_ref[...]
    xa_ref[...] = jnp.dot(xblk, w1a_ref[...], preferred_element_type=F32)
    xb_ref[...] = jnp.dot(xblk, w1b_ref[...], preferred_element_type=F32)


def _make_gather(n_edges, d):
    ew = n_edges // _NW
    nchunk = ew // _C
    mesh = plsc.VectorSubcoreMesh(core_axis_name="c", subcore_axis_name="s",
                                  num_cores=_NC, num_subcores=_NS)

    @functools.partial(
        pl.kernel,
        mesh=mesh,
        out_type=jax.ShapeDtypeStruct((n_edges, d), F32),
        scratch_types=[
            pltpu.VMEM((ew,), jnp.int32),
            pltpu.VMEM((ew,), jnp.int32),
            [pltpu.VMEM((_C, d), F32) for _ in range(2)],
            [pltpu.VMEM((_C, d), F32) for _ in range(2)],
            [pltpu.SemaphoreType.DMA for _ in range(2)],
            [pltpu.SemaphoreType.DMA for _ in range(2)],
            [pltpu.SemaphoreType.DMA for _ in range(2)],
        ],
    )
    def k(xa_hbm, xb_hbm, row_hbm, col_hbm, g_hbm, rows, cols, bufa, bufb,
          sga, sgb, sst):
        wid = lax.axis_index("s") * _NC + lax.axis_index("c")
        base = wid * ew
        pltpu.sync_copy(row_hbm.at[pl.ds(base, ew)], rows)
        pltpu.sync_copy(col_hbm.at[pl.ds(base, ew)], cols)

        def fire(kk, par):
            sl = pl.ds(kk * _C, _C)
            pltpu.async_copy(xa_hbm.at[rows.at[sl]], bufa[par], sga[par])
            pltpu.async_copy(xb_hbm.at[cols.at[sl]], bufb[par], sgb[par])

        def drain_g(par):
            pltpu.make_async_copy(xa_hbm.at[pl.ds(0, _C)], bufa[par],
                                  sga[par]).wait()
            pltpu.make_async_copy(xb_hbm.at[pl.ds(0, _C)], bufb[par],
                                  sgb[par]).wait()

        def drain_st(par):
            pltpu.make_async_copy(bufa[par], g_hbm.at[pl.ds(0, _C)],
                                  sst[par]).wait()

        def add(par):
            ba, bb = bufa[par], bufb[par]

            def add_row(r, c2):
                for j in range(d // 16):
                    sl = pl.ds(j * 16, 16)
                    ba[r, sl] = ba[r, sl] + bb[r, sl]
                return c2

            lax.fori_loop(0, _C, add_row, 0)

        fire(0, 0)

        def body(i, carry):
            for par in range(2):
                kk = 2 * i + par
                drain_g(par)

                @pl.when(kk + 1 < nchunk)
                def _():
                    @pl.when(kk >= 1)
                    def _():
                        drain_st(1 - par)

                    fire(kk + 1, 1 - par)

                add(par)
                pltpu.async_copy(bufa[par], g_hbm.at[pl.ds(base + kk * _C, _C)],
                                 sst[par])
            return carry

        lax.fori_loop(0, nchunk // 2, body, 0)

        @pl.when((nchunk % 2) == 1)
        def _():
            par = (nchunk - 1) % 2
            drain_g(par)
            add(par)
            pltpu.async_copy(bufa[par],
                             g_hbm.at[pl.ds(base + (nchunk - 1) * _C, _C)],
                             sst[par])

        drain_st(0)
        drain_st(1)

    return k


def _edge_body(g_ref, ea_ref, u_ref, w1cd_ref, b1_ref, g1_ref, be1_ref,
               w2_ref, b2_ref, g2_ref, be2_ref, w3_ref, b3_ref, eo_ref,
               esum_ref):
    nrows = ea_ref.shape[0]
    u_b = jnp.broadcast_to(u_ref[...], (nrows, u_ref.shape[1]))
    eau = jnp.concatenate([ea_ref[...], u_b], axis=1)
    h = g_ref[...] + jnp.dot(eau, w1cd_ref[...],
                             preferred_element_type=F32) + b1_ref[...]
    h = jnp.maximum(h, 0.0)
    h = _ln(h, g1_ref[...], be1_ref[...])
    h = jnp.maximum(
        jnp.dot(h, w2_ref[...], preferred_element_type=F32) + b2_ref[...], 0.0)
    h = _ln(h, g2_ref[...], be2_ref[...])
    eo = jnp.dot(h, w3_ref[...], preferred_element_type=F32) + b3_ref[...]
    eo_ref[...] = eo

    @pl.when(pl.program_id(0) == 0)
    def _():
        esum_ref[...] = jnp.zeros_like(esum_ref)

    esum_ref[...] += jnp.sum(eo, axis=0, keepdims=True)


def _make_scatter(n_edges, n_nodes, d):
    ew = n_edges // _NW
    nchunk = ew // _C
    n_pad = ((n_nodes + _NS * 8 - 1) // (_NS * 8)) * (_NS * 8)
    rows_t = n_pad // _NS
    mesh = plsc.VectorSubcoreMesh(core_axis_name="c", subcore_axis_name="s",
                                  num_cores=_NC, num_subcores=_NS)

    @functools.partial(
        pl.kernel,
        mesh=mesh,
        out_type=jax.ShapeDtypeStruct((_NC, n_pad, d), F32),
        scratch_types=[
            [pltpu.VMEM((_C,), jnp.int32) for _ in range(2)],
            [pltpu.VMEM((_C, d), F32) for _ in range(2)],
            pltpu.VMEM_SHARED((n_pad, d), F32),
            [pltpu.SemaphoreType.DMA for _ in range(2)],
            [pltpu.SemaphoreType.DMA for _ in range(2)],
        ],
    )
    def k(eo_hbm, col_hbm, zeros_hbm, agg_hbm, idx, buf, shared, sidx, sdat):
        cid = lax.axis_index("c")
        sid = lax.axis_index("s")
        wid = sid * _NC + cid
        base = wid * ew

        def fire(kk, par):
            off = base + kk * _C
            pltpu.async_copy(col_hbm.at[pl.ds(off, _C)], idx[par], sidx[par])
            pltpu.async_copy(eo_hbm.at[pl.ds(off, _C)], buf[par], sdat[par])

        def drain_in(par):
            pltpu.make_async_copy(col_hbm.at[pl.ds(0, _C)], idx[par],
                                  sidx[par]).wait()
            pltpu.make_async_copy(eo_hbm.at[pl.ds(0, _C)], buf[par],
                                  sdat[par]).wait()

        fire(0, 0)
        pltpu.sync_copy(zeros_hbm.at[pl.ds(sid * rows_t, rows_t)],
                        shared.at[pl.ds(sid * rows_t, rows_t)])
        plsc.subcore_barrier()

        def body(i, carry):
            for par in range(2):
                kk = 2 * i + par
                drain_in(par)

                @pl.when(kk + 1 < nchunk)
                def _():
                    fire(kk + 1, 1 - par)

                pltpu.sync_copy(buf[par], shared.at[idx[par]], add=True)
            return carry

        lax.fori_loop(0, nchunk // 2, body, 0)

        @pl.when((nchunk % 2) == 1)
        def _():
            par = (nchunk - 1) % 2
            drain_in(par)
            pltpu.sync_copy(buf[par], shared.at[idx[par]], add=True)

        plsc.subcore_barrier()
        pltpu.sync_copy(shared.at[pl.ds(sid * rows_t, rows_t)],
                        agg_hbm.at[cid, pl.ds(sid * rows_t, rows_t)])

    return k


def _node_body(x_ref, a0_ref, a1_ref, u_ref,
               v1x, v1a, v1u, nb1, ng1, nbe1, nw2, nb2, ng2, nbe2, nw3, nb3,
               xnew_ref, nsum_ref):
    i = pl.program_id(0)
    agg = a0_ref[...] + a1_ref[...]
    nrows = agg.shape[0]
    u_b = jnp.broadcast_to(u_ref[...], (nrows, u_ref.shape[1]))
    nin = jnp.concatenate([x_ref[...], agg, u_b], axis=1)
    v1 = jnp.concatenate([v1x[...], v1a[...], v1u[...]], axis=0)
    h = jnp.dot(nin, v1, preferred_element_type=F32) + nb1[...]
    h = jnp.maximum(h, 0.0)
    h = _ln(h, ng1[...], nbe1[...])
    h = jnp.maximum(
        jnp.dot(h, nw2[...], preferred_element_type=F32) + nb2[...], 0.0)
    h = _ln(h, ng2[...], nbe2[...])
    xn = jnp.dot(h, nw3[...], preferred_element_type=F32) + nb3[...]
    xnew_ref[...] = xn

    @pl.when(i == 0)
    def _():
        nsum_ref[...] = jnp.zeros_like(nsum_ref)

    nsum_ref[...] += jnp.sum(xn, axis=0, keepdims=True)


def _full(shape):
    return pl.BlockSpec(shape, lambda i: tuple(0 for _ in shape))


def kernel(x, edge_index, edge_attr, u, batch, edge_params, node_params,
           global_params):
    n_nodes, d = x.shape
    n_edges, d_e = edge_attr.shape
    d_u = u.shape[1]

    W1, b1, g1, be1, W2, b2, g2, be2, W3, b3 = edge_params
    V1, nb1, ng1, nbe1, V2, nb2, ng2, nbe2, V3, nb3 = node_params
    G1, gb1, gg1, gbe1, G2, gb2, gg2, gbe2, G3, gb3 = global_params

    row = edge_index[0].astype(jnp.int32)
    col = edge_index[1].astype(jnp.int32)

    W1a, W1b, W1c, W1d = W1[:d], W1[d:2 * d], W1[2 * d:2 * d + d_e], W1[2 * d + d_e:]
    V1x, V1a, V1u = V1[:d], V1[d:2 * d], V1[2 * d:]
    Gu, Gn, Ge = G1[:d_u], G1[d_u:d_u + d], G1[d_u + d:]

    r2 = lambda v: v.reshape(1, -1)

    nb_blk = 1000
    n_grid = n_nodes // nb_blk
    xa, xb = pl.pallas_call(
        _pre_body,
        grid=(n_grid,),
        in_specs=[
            pl.BlockSpec((nb_blk, d), lambda i: (i, 0)),
            _full((d, d)), _full((d, d)),
        ],
        out_specs=[
            pl.BlockSpec((nb_blk, d), lambda i: (i, 0)),
            pl.BlockSpec((nb_blk, d), lambda i: (i, 0)),
        ],
        out_shape=[
            jax.ShapeDtypeStruct((n_nodes, d), F32),
            jax.ShapeDtypeStruct((n_nodes, d), F32),
        ],
    )(x, W1a, W1b)

    g = _make_gather(n_edges, d)(xa, xb, row, col)

    eb_blk = 4000
    e_grid = n_edges // eb_blk
    edge_out, esum = pl.pallas_call(
        _edge_body,
        grid=(e_grid,),
        in_specs=[
            pl.BlockSpec((eb_blk, d), lambda i: (i, 0)),
            pl.BlockSpec((eb_blk, d_e), lambda i: (i, 0)),
            _full((1, d_u)), _full((d_e + d_u, d)), _full((1, d)),
            _full((1, d)), _full((1, d)),
            _full((d, d)), _full((1, d)), _full((1, d)), _full((1, d)),
            _full((d, d)), _full((1, d)),
        ],
        out_specs=[
            pl.BlockSpec((eb_blk, d), lambda i: (i, 0)),
            pl.BlockSpec((1, d), lambda i: (0, 0)),
        ],
        out_shape=[
            jax.ShapeDtypeStruct((n_edges, d), F32),
            jax.ShapeDtypeStruct((1, d), F32),
        ],
    )(g, edge_attr, u, W1[2 * d:], r2(b1), r2(g1), r2(be1), W2, r2(b2),
      r2(g2), r2(be2), W3, r2(b3))

    n_pad_sc = ((n_nodes + _NS * 8 - 1) // (_NS * 8)) * (_NS * 8)
    zeros_init = jnp.zeros((n_pad_sc, d), dtype=F32)
    aggp = _make_scatter(n_edges, n_nodes, d)(edge_out, col, zeros_init)

    x_new, nsum = pl.pallas_call(
        _node_body,
        grid=(n_grid,),
        in_specs=[
            pl.BlockSpec((nb_blk, d), lambda i: (i, 0)),
            pl.BlockSpec((nb_blk, d), lambda i: (i, 0)),
            pl.BlockSpec((nb_blk, d), lambda i: (i, 0)),
            _full((1, d_u)),
            _full((d, d)), _full((d, d)), _full((d_u, d)),
            _full((1, d)), _full((1, d)), _full((1, d)),
            _full((d, d)), _full((1, d)), _full((1, d)), _full((1, d)),
            _full((d, d)), _full((1, d)),
        ],
        out_specs=[
            pl.BlockSpec((nb_blk, d), lambda i: (i, 0)),
            pl.BlockSpec((1, d), lambda i: (0, 0)),
        ],
        out_shape=[
            jax.ShapeDtypeStruct((n_nodes, d), F32),
            jax.ShapeDtypeStruct((1, d), F32),
        ],
    )(x, aggp[0], aggp[1], u,
      V1x, V1a, V1u, r2(nb1), r2(ng1), r2(nbe1), V2, r2(nb2), r2(ng2),
      r2(nbe2), V3, r2(nb3))

    def _ln_j(h, gg, bb):
        mu = jnp.mean(h, axis=-1, keepdims=True)
        var = jnp.mean((h - mu) ** 2, axis=-1, keepdims=True)
        return (h - mu) / jnp.sqrt(var + 1e-5) * gg + bb

    g_in = jnp.concatenate([u, nsum, esum], axis=1)
    gh = jnp.maximum(g_in @ G1 + gb1, 0.0)
    gh = _ln_j(gh, gg1, gbe1)
    gh = jnp.maximum(gh @ G2 + gb2, 0.0)
    gh = _ln_j(gh, gg2, gbe2)
    u_new = gh @ G3 + gb3

    return (x_new, edge_out, u_new)

# --- scband reference (transcript-rebuilt; emitter-appended) ---
"""Pipeline reference for scband-gnblock-19851338842524 (READ-ONLY COPY).

The authoritative reference and input builder live on the scoring server;
editing this copy changes nothing except your own understanding.
"""

import jax, jax.numpy as jnp
import numpy as np

HIDDEN = 128
OUT = 128
D_NODE = 128
D_EDGE = 16
D_U = 16
N_NODES = 10000
N_EDGES = 320000


def _make_mlp_params(key, in_dim, hidden, out_dim):
    k1, k2, k3 = jax.random.split(key, 3)
    W1 = jax.random.normal(k1, (in_dim, hidden), dtype=jnp.float32) / np.sqrt(in_dim)
    b1 = jnp.zeros((hidden,), dtype=jnp.float32)
    g1 = jnp.ones((hidden,), dtype=jnp.float32)
    be1 = jnp.zeros((hidden,), dtype=jnp.float32)
    W2 = jax.random.normal(k2, (hidden, hidden), dtype=jnp.float32) / np.sqrt(hidden)
    b2 = jnp.zeros((hidden,), dtype=jnp.float32)
    g2 = jnp.ones((hidden,), dtype=jnp.float32)
    be2 = jnp.zeros((hidden,), dtype=jnp.float32)
    W3 = jax.random.normal(k3, (hidden, out_dim), dtype=jnp.float32) / np.sqrt(hidden)
    b3 = jnp.zeros((out_dim,), dtype=jnp.float32)
    return (W1, b1, g1, be1, W2, b2, g2, be2, W3, b3)


def _layer_norm(h, g, b, eps=1e-5):
    mu = jnp.mean(h, axis=-1, keepdims=True)
    var = jnp.mean((h - mu) ** 2, axis=-1, keepdims=True)
    return (h - mu) / jnp.sqrt(var + eps) * g + b


def _mlp(params, x):
    W1, b1, g1, be1, W2, b2, g2, be2, W3, b3 = params
    h = jnp.maximum(x @ W1 + b1, 0.0)
    h = _layer_norm(h, g1, be1)
    h = jnp.maximum(h @ W2 + b2, 0.0)
    h = _layer_norm(h, g2, be2)
    return h @ W3 + b3


def setup_inputs(seed: int = 0) -> dict:
    key = jax.random.key(seed)
    ks = jax.random.split(key, 8)
    x = jax.random.normal(ks[0], (N_NODES, D_NODE), dtype=jnp.float32)
    edge_index = jax.random.randint(ks[1], (2, N_EDGES), 0, N_NODES, dtype=jnp.int64 if jax.config.jax_enable_x64 else jnp.int32)
    edge_attr = jax.random.normal(ks[2], (N_EDGES, D_EDGE), dtype=jnp.float32)
    u = jax.random.normal(ks[3], (1, D_U), dtype=jnp.float32)
    batch = jnp.zeros((N_NODES,), dtype=jnp.int32)
    edge_params = _make_mlp_params(ks[4], 2 * D_NODE + D_EDGE + D_U, HIDDEN, OUT)
    node_params = _make_mlp_params(ks[5], D_NODE + OUT + D_U, HIDDEN, OUT)
    global_params = _make_mlp_params(ks[6], D_U + OUT + OUT, HIDDEN, 1)
    return {
        "x": x,
        "edge_index": edge_index,
        "edge_attr": edge_attr,
        "u": u,
        "batch": batch,
        "edge_params": edge_params,
        "node_params": node_params,
        "global_params": global_params,
    }


def reference(x, edge_index, edge_attr, u, batch, edge_params, node_params, global_params):
    row = edge_index[0]
    col = edge_index[1]
    n_nodes = x.shape[0]
    n_edges = edge_attr.shape[0]
    # EdgeModel
    src = jnp.take(x, row, axis=0)
    dest = jnp.take(x, col, axis=0)
    u_e = jnp.broadcast_to(u, (n_edges, u.shape[1]))
    edge_in = jnp.concatenate([src, dest, edge_attr, u_e], axis=1)
    edge_out = _mlp(edge_params, edge_in)
    # NodeModel: scatter-add edge features to destination nodes
    agg = jnp.zeros((n_nodes, edge_out.shape[1]), dtype=edge_out.dtype).at[col].add(edge_out)
    u_n = jnp.broadcast_to(u, (n_nodes, u.shape[1]))
    node_in = jnp.concatenate([x, agg, u_n], axis=1)
    x_new = _mlp(node_params, node_in)
    # GlobalModel
    node_sum = jnp.sum(x_new, axis=0, keepdims=True)
    edge_sum = jnp.sum(edge_out, axis=0, keepdims=True)
    g_in = jnp.concatenate([u, node_sum, edge_sum], axis=1)
    u_new = _mlp(global_params, g_in)
    return (x_new, edge_out, u_new)

if __name__ == "__main__":
    import jax
    _d = setup_inputs()
    print(jax.jit(kernel)(*tuple(_d.values())))

</pallas_src>

<mosaic_0001>
#map = affine_map<(d0, d1) -> (0, 0)>
#map1 = affine_map<(d0, d1) -> (0)>
#map2 = affine_map<(d0, d1) -> (0, 0, 0)>
module attributes {stable_mosaic.version = 14 : i64} {
  func.func @k(%arg0: i32, %arg1: i32, %arg2: memref<320000x128xf32, #tpu.memory_space<hbm>>, %arg3: memref<320000xi32, #tpu.memory_space<hbm>>, %arg4: memref<10112x128xf32, #tpu.memory_space<hbm>>, %arg5: memref<2x10112x128xf32, #tpu.memory_space<hbm>>, %arg6: memref<80xi32, #tpu.memory_space<vmem>>, %arg7: memref<80xi32, #tpu.memory_space<vmem>>, %arg8: memref<80x128xf32, #tpu.memory_space<vmem>>, %arg9: memref<80x128xf32, #tpu.memory_space<vmem>>, %arg10: memref<10112x128xf32, #tpu.memory_space<vmem_shared>>, %arg11: memref<!tpu.dma_semaphore, #tpu.memory_space<semaphore_mem>>, %arg12: memref<!tpu.dma_semaphore, #tpu.memory_space<semaphore_mem>>, %arg13: memref<!tpu.dma_semaphore, #tpu.memory_space<semaphore_mem>>, %arg14: memref<!tpu.dma_semaphore, #tpu.memory_space<semaphore_mem>>) attributes {dimension_semantics = [#tpu.dimension_semantics<core_parallel>, #tpu.dimension_semantics<subcore_parallel>], iteration_bounds = array<i64: 2, 16>, scalar_prefetch = 0 : i64, scratch_operands = 9 : i64, tpu.core_type = #tpu.core_type<sc_vector_subcore>, window_params = [{transform_indices = #map}, {transform_indices = #map1}, {transform_indices = #map}, {transform_indices = #map2}]} {
    %mul3A = arith.constant 2 : i32
    %mul3A_0 = arith.muli %arg1, %mul3A : i32
    %add3A = arith.addi %mul3A_0, %arg0 : i32
    %mul3A_1 = arith.constant 10000 : i32
    %mul3A_2 = arith.muli %add3A, %mul3A_1 : i32
    %add3A_3 = arith.constant 0 : i32
    %add3A_4 = arith.addi %mul3A_2, %add3A_3 : i32
    %dma_start3A = tpu.memref_slice %arg3[%add3A_4] : memref<320000xi32, #tpu.memory_space<hbm>> -> memref<80xi32, #tpu.memory_space<hbm>>
    %dma_start3A_5 = tpu.memref_slice %arg3[%add3A_4] : memref<320000xi32, #tpu.memory_space<hbm>> -> memref<80xi32, #tpu.memory_space<hbm>>
    tpu.enqueue_dma source(%dma_start3A_5 : memref<80xi32, #tpu.memory_space<hbm>>) target(%arg6 : memref<80xi32, #tpu.memory_space<vmem>>) target_semaphore(%arg11 : memref<!tpu.dma_semaphore, #tpu.memory_space<semaphore_mem>>)
    %dma_start3A_6 = arith.constant 0 : i32
    %dma_start3A_7 = tpu.memref_slice %arg2[%add3A_4, %dma_start3A_6] : memref<320000x128xf32, #tpu.memory_space<hbm>> -> memref<80x128xf32, #tpu.memory_space<hbm>>
    %dma_start3A_8 = arith.constant 0 : i32
    %dma_start3A_9 = tpu.memref_slice %arg2[%add3A_4, %dma_start3A_8] : memref<320000x128xf32, #tpu.memory_space<hbm>> -> memref<80x128xf32, #tpu.memory_space<hbm>>
    tpu.enqueue_dma source(%dma_start3A_9 : memref<80x128xf32, #tpu.memory_space<hbm>>) target(%arg8 : memref<80x128xf32, #tpu.memory_space<vmem>>) target_semaphore(%arg13 : memref<!tpu.dma_semaphore, #tpu.memory_space<semaphore_mem>>)
    %mul3A_10 = arith.constant 632 : i32
    %mul3A_11 = arith.muli %arg1, %mul3A_10 : i32
    %mul3A_12 = arith.constant 632 : i32
    %mul3A_13 = arith.muli %arg1, %mul3A_12 : i32
    "tpu.region"() ({
      %run_scoped3A = tpu.sem_alloc : memref<!tpu.dma_semaphore, #tpu.memory_space<semaphore_mem>>
      %dma_start3A_33 = arith.constant 0 : i32
      %dma_start3A_34 = tpu.memref_slice %arg10[%mul3A_13, %dma_start3A_33] : memref<10112x128xf32, #tpu.memory_space<vmem_shared>> -> memref<632x128xf32, #tpu.memory_space<vmem_shared>>
      %dma_start3A_35 = arith.constant 0 : i32
      %dma_start3A_36 = tpu.memref_slice %arg4[%mul3A_11, %dma_start3A_35] : memref<10112x128xf32, #tpu.memory_space<hbm>> -> memref<632x128xf32, #tpu.memory_space<hbm>>
      tpu.enqueue_dma source(%dma_start3A_36 : memref<632x128xf32, #tpu.memory_space<hbm>>) target(%dma_start3A_34 : memref<632x128xf32, #tpu.memory_space<vmem_shared>>) target_semaphore(%run_scoped3A : memref<!tpu.dma_semaphore, #tpu.memory_space<semaphore_mem>>)
      %dma_wait3A_37 = arith.constant 0 : i32
      %dma_wait3A_38 = tpu.memref_slice %arg10[%mul3A_13, %dma_wait3A_37] : memref<10112x128xf32, #tpu.memory_space<vmem_shared>> -> memref<632x128xf32, #tpu.memory_space<vmem_shared>>
      %dma_wait3A_39 = arith.constant 0 : i32
      %dma_wait3A_40 = tpu.memref_slice %arg4[%mul3A_11, %dma_wait3A_39] : memref<10112x128xf32, #tpu.memory_space<hbm>> -> memref<632x128xf32, #tpu.memory_space<hbm>>
      tpu.wait_dma2 semaphore(%run_scoped3A : memref<!tpu.dma_semaphore, #tpu.memory_space<semaphore_mem>>) src(%dma_wait3A_40 : memref<632x128xf32, #tpu.memory_space<hbm>>) dst(%dma_wait3A_38 : memref<632x128xf32, #tpu.memory_space<vmem_shared>>)
      tpu.yield
    }) : () -> ()
    %barrier3A = arith.constant 0 : index
    tpu.barrier barrier_id(%barrier3A)
    %scan3A = arith.constant 0 : i32
    %scan3A_14 = arith.constant 0 : i32
    %scan3A_15 = arith.constant 62 : i32
    %scan3A_16 = arith.addi %scan3A_14, %scan3A_15 : i32
    %scan3A_17 = arith.constant 1 : i32
    scf.for %scan3A_33 = %scan3A_14 to %scan3A_16 step %scan3A_17  : i32 {
      %mul3A_34 = arith.constant 2 : i32
      %mul3A_35 = arith.muli %mul3A_34, %scan3A_33 : i32
      %add3A_36 = arith.constant 0 : i32
      %add3A_37 = arith.addi %mul3A_35, %add3A_36 : i32
      %dma_wait3A_38 = arith.constant 0 : i32
      %dma_wait3A_39 = tpu.memref_slice %arg3[%dma_wait3A_38] : memref<320000xi32, #tpu.memory_space<hbm>> -> memref<80xi32, #tpu.memory_space<hbm>>
      %dma_wait3A_40 = arith.constant 0 : i32
      %dma_wait3A_41 = tpu.memref_slice %arg3[%dma_wait3A_40] : memref<320000xi32, #tpu.memory_space<hbm>> -> memref<80xi32, #tpu.memory_space<hbm>>
      tpu.wait_dma2 semaphore(%arg11 : memref<!tpu.dma_semaphore, #tpu.memory_space<semaphore_mem>>) src(%dma_wait3A_41 : memref<80xi32, #tpu.memory_space<hbm>>) dst(%arg6 : memref<80xi32, #tpu.memory_space<vmem>>)
      %dma_wait3A_42 = arith.constant 0 : i32
      %dma_wait3A_43 = arith.constant 0 : i32
      %dma_wait3A_44 = tpu.memref_slice %arg2[%dma_wait3A_42, %dma_wait3A_43] : memref<320000x128xf32, #tpu.memory_space<hbm>> -> memref<80x128xf32, #tpu.memory_space<hbm>>
      %dma_wait3A_45 = arith.constant 0 : i32
      %dma_wait3A_46 = arith.constant 0 : i32
      %dma_wait3A_47 = tpu.memref_slice %arg2[%dma_wait3A_45, %dma_wait3A_46] : memref<320000x128xf32, #tpu.memory_space<hbm>> -> memref<80x128xf32, #tpu.memory_space<hbm>>
      tpu.wait_dma2 semaphore(%arg13 : memref<!tpu.dma_semaphore, #tpu.memory_space<semaphore_mem>>) src(%dma_wait3A_47 : memref<80x128xf32, #tpu.memory_space<hbm>>) dst(%arg8 : memref<80x128xf32, #tpu.memory_space<vmem>>)
      %add3A_48 = arith.constant 1 : i32
      %add3A_49 = arith.addi %add3A_37, %add3A_48 : i32
      %lt3A = arith.constant 125 : i32
      %lt3A_50 = arith.cmpi slt, %add3A_49, %lt3A : i32
      %convert_element_type3A = arith.extui %lt3A_50 : i1 to i32
      %cond3A = arith.constant 0 : i32
      %cond3A_51 = arith.cmpi ne, %convert_element_type3A, %cond3A : i32
      scf.if %cond3A_51 {
        %add3A_73 = arith.constant 1 : i32
        %add3A_74 = arith.addi %add3A_37, %add3A_73 : i32
        %mul3A_75 = arith.constant 80 : i32
        %mul3A_76 = arith.muli %add3A_74, %mul3A_75 : i32
        %add3A_77 = arith.addi %mul3A_2, %mul3A_76 : i32
        %dma_start3A_78 = tpu.memref_slice %arg3[%add3A_77] : memref<320000xi32, #tpu.memory_space<hbm>> -> memref<80xi32, #tpu.memory_space<hbm>>
        %dma_start3A_79 = tpu.memref_slice %arg3[%add3A_77] : memref<320000xi32, #tpu.memory_space<hbm>> -> memref<80xi32, #tpu.memory_space<hbm>>
        tpu.enqueue_dma source(%dma_start3A_79 : memref<80xi32, #tpu.memory_space<hbm>>) target(%arg7 : memref<80xi32, #tpu.memory_space<vmem>>) target_semaphore(%arg12 : memref<!tpu.dma_semaphore, #tpu.memory_space<semaphore_mem>>)
        %dma_start3A_80 = arith.constant 0 : i32
        %dma_start3A_81 = tpu.memref_slice %arg2[%add3A_77, %dma_start3A_80] : memref<320000x128xf32, #tpu.memory_space<hbm>> -> memref<80x128xf32, #tpu.memory_space<hbm>>
        %dma_start3A_82 = arith.constant 0 : i32
        %dma_start3A_83 = tpu.memref_slice %arg2[%add3A_77, %dma_start3A_82] : memref<320000x128xf32, #tpu.memory_space<hbm>> -> memref<80x128xf32, #tpu.memory_space<hbm>>
        tpu.enqueue_dma source(%dma_start3A_83 : memref<80x128xf32, #tpu.memory_space<hbm>>) target(%arg9 : memref<80x128xf32, #tpu.memory_space<vmem>>) target_semaphore(%arg14 : memref<!tpu.dma_semaphore, #tpu.memory_space<semaphore_mem>>)
      } else {
      }
      "tpu.region"() ({
        %run_scoped3A = tpu.sem_alloc : memref<!tpu.dma_semaphore, #tpu.memory_space<semaphore_mem>>
        %dma_start3A_73 = arith.constant 0 : i32
        %dma_start3A_74 = arith.constant 0 : i32
        %dma_start3A_75 = tpu.memref_slice %arg10[%dma_start3A_73, %dma_start3A_74] : memref<10112x128xf32, #tpu.memory_space<vmem_shared>> -> memref<10112x128xf32, #tpu.memory_space<vmem_shared>>
        tpu.enqueue_indirect_dma source(%arg8 : memref<80x128xf32, #tpu.memory_space<vmem>>) target(%dma_start3A_75 : memref<10112x128xf32, #tpu.memory_space<vmem_shared>>) offsets(%arg6 : memref<80xi32, #tpu.memory_space<vmem>>) semaphore(%run_scoped3A : memref<!tpu.dma_semaphore, #tpu.memory_space<semaphore_mem>>) {add = true}
        %dma_wait3A_76 = arith.constant 0 : i32
        %dma_wait3A_77 = arith.constant 0 : i32
        %dma_wait3A_78 = tpu.memref_slice %arg10[%dma_wait3A_76, %dma_wait3A_77] : memref<10112x128xf32, #tpu.memory_space<vmem_shared>> -> memref<10112x128xf32, #tpu.memory_space<vmem_shared>>
        tpu.wait_indirect_dma semaphore(%run_scoped3A : memref<!tpu.dma_semaphore, #tpu.memory_space<semaphore_mem>>) src(%arg8 : memref<80x128xf32, #tpu.memory_space<vmem>>) dst(%dma_wait3A_78 : memref<10112x128xf32, #tpu.memory_space<vmem_shared>>)
        tpu.yield
      }) : () -> ()
      %mul3A_52 = arith.constant 2 : i32
      %mul3A_53 = arith.muli %mul3A_52, %scan3A_33 : i32
      %add3A_54 = arith.constant 1 : i32
      %add3A_55 = arith.addi %mul3A_53, %add3A_54 : i32
      %dma_wait3A_56 = arith.constant 0 : i32
      %dma_wait3A_57 = tpu.memref_slice %arg3[%dma_wait3A_56] : memref<320000xi32, #tpu.memory_space<hbm>> -> memref<80xi32, #tpu.memory_space<hbm>>
      %dma_wait3A_58 = arith.constant 0 : i32
      %dma_wait3A_59 = tpu.memref_slice %arg3[%dma_wait3A_58] : memref<320000xi32, #tpu.memory_space<hbm>> -> memref<80xi32, #tpu.memory_space<hbm>>
      tpu.wait_dma2 semaphore(%arg12 : memref<!tpu.dma_semaphore, #tpu.memory_space<semaphore_mem>>) src(%dma_wait3A_59 : memref<80xi32, #tpu.memory_space<hbm>>) dst(%arg7 : memref<80xi32, #tpu.memory_space<vmem>>)
      %dma_wait3A_60 = arith.constant 0 : i32
      %dma_wait3A_61 = arith.constant 0 : i32
      %dma_wait3A_62 = tpu.memref_slice %arg2[%dma_wait3A_60, %dma_wait3A_61] : memref<320000x128xf32, #tpu.memory_space<hbm>> -> memref<80x128xf32, #tpu.memory_space<hbm>>
      %dma_wait3A_63 = arith.constant 0 : i32
      %dma_wait3A_64 = arith.constant 0 : i32
      %dma_wait3A_65 = tpu.memref_slice %arg2[%dma_wait3A_63, %dma_wait3A_64] : memref<320000x128xf32, #tpu.memory_space<hbm>> -> memref<80x128xf32, #tpu.memory_space<hbm>>
      tpu.wait_dma2 semaphore(%arg14 : memref<!tpu.dma_semaphore, #tpu.memory_space<semaphore_mem>>) src(%dma_wait3A_65 : memref<80x128xf32, #tpu.memory_space<hbm>>) dst(%arg9 : memref<80x128xf32, #tpu.memory_space<vmem>>)
      %add3A_66 = arith.constant 1 : i32
      %add3A_67 = arith.addi %add3A_55, %add3A_66 : i32
      %lt3A_68 = arith.constant 125 : i32
      %lt3A_69 = arith.cmpi slt, %add3A_67, %lt3A_68 : i32
      %convert_element_type3A_70 = arith.extui %lt3A_69 : i1 to i32
      %cond3A_71 = arith.constant 0 : i32
      %cond3A_72 = arith.cmpi ne, %convert_element_type3A_70, %cond3A_71 : i32
      scf.if %cond3A_72 {
        %add3A_73 = arith.constant 1 : i32
        %add3A_74 = arith.addi %add3A_55, %add3A_73 : i32
        %mul3A_75 = arith.constant 80 : i32
        %mul3A_76 = arith.muli %add3A_74, %mul3A_75 : i32
        %add3A_77 = arith.addi %mul3A_2, %mul3A_76 : i32
        %dma_start3A_78 = tpu.memref_slice %arg3[%add3A_77] : memref<320000xi32, #tpu.memory_space<hbm>> -> memref<80xi32, #tpu.memory_space<hbm>>
        %dma_start3A_79 = tpu.memref_slice %arg3[%add3A_77] : memref<320000xi32, #tpu.memory_space<hbm>> -> memref<80xi32, #tpu.memory_space<hbm>>
        tpu.enqueue_dma source(%dma_start3A_79 : memref<80xi32, #tpu.memory_space<hbm>>) target(%arg6 : memref<80xi32, #tpu.memory_space<vmem>>) target_semaphore(%arg11 : memref<!tpu.dma_semaphore, #tpu.memory_space<semaphore_mem>>)
        %dma_start3A_80 = arith.constant 0 : i32
        %dma_start3A_81 = tpu.memref_slice %arg2[%add3A_77, %dma_start3A_80] : memref<320000x128xf32, #tpu.memory_space<hbm>> -> memref<80x128xf32, #tpu.memory_space<hbm>>
        %dma_start3A_82 = arith.constant 0 : i32
        %dma_start3A_83 = tpu.memref_slice %arg2[%add3A_77, %dma_start3A_82] : memref<320000x128xf32, #tpu.memory_space<hbm>> -> memref<80x128xf32, #tpu.memory_space<hbm>>
        tpu.enqueue_dma source(%dma_start3A_83 : memref<80x128xf32, #tpu.memory_space<hbm>>) target(%arg8 : memref<80x128xf32, #tpu.memory_space<vmem>>) target_semaphore(%arg13 : memref<!tpu.dma_semaphore, #tpu.memory_space<semaphore_mem>>)
      } else {
      }
      "tpu.region"() ({
        %run_scoped3A = tpu.sem_alloc : memref<!tpu.dma_semaphore, #tpu.memory_space<semaphore_mem>>
        %dma_start3A_73 = arith.constant 0 : i32
        %dma_start3A_74 = arith.constant 0 : i32
        %dma_start3A_75 = tpu.memref_slice %arg10[%dma_start3A_73, %dma_start3A_74] : memref<10112x128xf32, #tpu.memory_space<vmem_shared>> -> memref<10112x128xf32, #tpu.memory_space<vmem_shared>>
        tpu.enqueue_indirect_dma source(%arg9 : memref<80x128xf32, #tpu.memory_space<vmem>>) target(%dma_start3A_75 : memref<10112x128xf32, #tpu.memory_space<vmem_shared>>) offsets(%arg7 : memref<80xi32, #tpu.memory_space<vmem>>) semaphore(%run_scoped3A : memref<!tpu.dma_semaphore, #tpu.memory_space<semaphore_mem>>) {add = true}
        %dma_wait3A_76 = arith.constant 0 : i32
        %dma_wait3A_77 = arith.constant 0 : i32
        %dma_wait3A_78 = tpu.memref_slice %arg10[%dma_wait3A_76, %dma_wait3A_77] : memref<10112x128xf32, #tpu.memory_space<vmem_shared>> -> memref<10112x128xf32, #tpu.memory_space<vmem_shared>>
        tpu.wait_indirect_dma semaphore(%run_scoped3A : memref<!tpu.dma_semaphore, #tpu.memory_space<semaphore_mem>>) src(%arg9 : memref<80x128xf32, #tpu.memory_space<vmem>>) dst(%dma_wait3A_78 : memref<10112x128xf32, #tpu.memory_space<vmem_shared>>)
        tpu.yield
      }) : () -> ()
    }
    %scan3A_18 = arith.constant 62 : i32
    %dma_wait3A = arith.constant 0 : i32
    %dma_wait3A_19 = tpu.memref_slice %arg3[%dma_wait3A] : memref<320000xi32, #tpu.memory_space<hbm>> -> memref<80xi32, #tpu.memory_space<hbm>>
    %dma_wait3A_20 = arith.constant 0 : i32
    %dma_wait3A_21 = tpu.memref_slice %arg3[%dma_wait3A_20] : memref<320000xi32, #tpu.memory_space<hbm>> -> memref<80xi32, #tpu.memory_space<hbm>>
    tpu.wait_dma2 semaphore(%arg11 : memref<!tpu.dma_semaphore, #tpu.memory_space<semaphore_mem>>) src(%dma_wait3A_21 : memref<80xi32, #tpu.memory_space<hbm>>) dst(%arg6 : memref<80xi32, #tpu.memory_space<vmem>>)
    %dma_wait3A_22 = arith.constant 0 : i32
    %dma_wait3A_23 = arith.constant 0 : i32
    %dma_wait3A_24 = tpu.memref_slice %arg2[%dma_wait3A_22, %dma_wait3A_23] : memref<320000x128xf32, #tpu.memory_space<hbm>> -> memref<80x128xf32, #tpu.memory_space<hbm>>
    %dma_wait3A_25 = arith.constant 0 : i32
    %dma_wait3A_26 = arith.constant 0 : i32
    %dma_wait3A_27 = tpu.memref_slice %arg2[%dma_wait3A_25, %dma_wait3A_26] : memref<320000x128xf32, #tpu.memory_space<hbm>> -> memref<80x128xf32, #tpu.memory_space<hbm>>
    tpu.wait_dma2 semaphore(%arg13 : memref<!tpu.dma_semaphore, #tpu.memory_space<semaphore_mem>>) src(%dma_wait3A_27 : memref<80x128xf32, #tpu.memory_space<hbm>>) dst(%arg8 : memref<80x128xf32, #tpu.memory_space<vmem>>)
    "tpu.region"() ({
      %run_scoped3A = tpu.sem_alloc : memref<!tpu.dma_semaphore, #tpu.memory_space<semaphore_mem>>
      %dma_start3A_33 = arith.constant 0 : i32
      %dma_start3A_34 = arith.constant 0 : i32
      %dma_start3A_35 = tpu.memref_slice %arg10[%dma_start3A_33, %dma_start3A_34] : memref<10112x128xf32, #tpu.memory_space<vmem_shared>> -> memref<10112x128xf32, #tpu.memory_space<vmem_shared>>
      tpu.enqueue_indirect_dma source(%arg8 : memref<80x128xf32, #tpu.memory_space<vmem>>) target(%dma_start3A_35 : memref<10112x128xf32, #tpu.memory_space<vmem_shared>>) offsets(%arg6 : memref<80xi32, #tpu.memory_space<vmem>>) semaphore(%run_scoped3A : memref<!tpu.dma_semaphore, #tpu.memory_space<semaphore_mem>>) {add = true}
      %dma_wait3A_36 = arith.constant 0 : i32
      %dma_wait3A_37 = arith.constant 0 : i32
      %dma_wait3A_38 = tpu.memref_slice %arg10[%dma_wait3A_36, %dma_wait3A_37] : memref<10112x128xf32, #tpu.memory_space<vmem_shared>> -> memref<10112x128xf32, #tpu.memory_space<vmem_shared>>
      tpu.wait_indirect_dma semaphore(%run_scoped3A : memref<!tpu.dma_semaphore, #tpu.memory_space<semaphore_mem>>) src(%arg8 : memref<80x128xf32, #tpu.memory_space<vmem>>) dst(%dma_wait3A_38 : memref<10112x128xf32, #tpu.memory_space<vmem_shared>>)
      tpu.yield
    }) : () -> ()
    %barrier3A_28 = arith.constant 0 : index
    tpu.barrier barrier_id(%barrier3A_28)
    %mul3A_29 = arith.constant 632 : i32
    %mul3A_30 = arith.muli %arg1, %mul3A_29 : i32
    %mul3A_31 = arith.constant 632 : i32
    %mul3A_32 = arith.muli %arg1, %mul3A_31 : i32
    "tpu.region"() ({
      %run_scoped3A = tpu.sem_alloc : memref<!tpu.dma_semaphore, #tpu.memory_space<semaphore_mem>>
      %dma_start3A_33 = arith.constant 0 : i32
      %dma_start3A_34 = tpu.memref_slice %arg5[%arg0, %mul3A_32, %dma_start3A_33] : memref<2x10112x128xf32, #tpu.memory_space<hbm>> -> memref<1x632x128xf32, #tpu.memory_space<hbm>>
      %dma_start3A_35 = tpu.memref_squeeze %dma_start3A_34 : memref<1x632x128xf32, #tpu.memory_space<hbm>> -> memref<632x128xf32, #tpu.memory_space<hbm>>
      %dma_start3A_36 = arith.constant 0 : i32
      %dma_start3A_37 = tpu.memref_slice %arg10[%mul3A_30, %dma_start3A_36] : memref<10112x128xf32, #tpu.memory_space<vmem_shared>> -> memref<632x128xf32, #tpu.memory_space<vmem_shared>>
      tpu.enqueue_dma source(%dma_start3A_37 : memref<632x128xf32, #tpu.memory_space<vmem_shared>>) target(%dma_start3A_35 : memref<632x128xf32, #tpu.memory_space<hbm>>) target_semaphore(%run_scoped3A : memref<!tpu.dma_semaphore, #tpu.memory_space<semaphore_mem>>)
      %dma_wait3A_38 = arith.constant 0 : i32
      %dma_wait3A_39 = tpu.memref_slice %arg5[%arg0, %mul3A_32, %dma_wait3A_38] : memref<2x10112x128xf32, #tpu.memory_space<hbm>> -> memref<1x632x128xf32, #tpu.memory_space<hbm>>
      %dma_wait3A_40 = tpu.memref_squeeze %dma_wait3A_39 : memref<1x632x128xf32, #tpu.memory_space<hbm>> -> memref<632x128xf32, #tpu.memory_space<hbm>>
      %dma_wait3A_41 = arith.constant 0 : i32
      %dma_wait3A_42 = tpu.memref_slice %arg10[%mul3A_30, %dma_wait3A_41] : memref<10112x128xf32, #tpu.memory_space<vmem_shared>> -> memref<632x128xf32, #tpu.memory_space<vmem_shared>>
      tpu.wait_dma2 semaphore(%run_scoped3A : memref<!tpu.dma_semaphore, #tpu.memory_space<semaphore_mem>>) src(%dma_wait3A_42 : memref<632x128xf32, #tpu.memory_space<vmem_shared>>) dst(%dma_wait3A_40 : memref<632x128xf32, #tpu.memory_space<hbm>>)
      tpu.yield
    }) : () -> ()
    return
  }
}

#map = affine_map<(d0, d1) -> (0, 0)>
#map1 = affine_map<(d0, d1) -> (0)>
module attributes {stable_mosaic.version = 14 : i64} {
  func.func @k(%arg0: i32, %arg1: i32, %arg2: memref<10000x128xf32, #tpu.memory_space<hbm>>, %arg3: memref<10000x128xf32, #tpu.memory_space<hbm>>, %arg4: memref<320000xi32, #tpu.memory_space<hbm>>, %arg5: memref<320000xi32, #tpu.memory_space<hbm>>, %arg6: memref<320000x128xf32, #tpu.memory_space<hbm>>, %arg7: memref<10000xi32, #tpu.memory_space<vmem>>, %arg8: memref<10000xi32, #tpu.memory_space<vmem>>, %arg9: memref<80x128xf32, #tpu.memory_space<vmem>>, %arg10: memref<80x128xf32, #tpu.memory_space<vmem>>, %arg11: memref<80x128xf32, #tpu.memory_space<vmem>>, %arg12: memref<80x128xf32, #tpu.memory_space<vmem>>, %arg13: memref<!tpu.dma_semaphore, #tpu.memory_space<semaphore_mem>>, %arg14: memref<!tpu.dma_semaphore, #tpu.memory_space<semaphore_mem>>, %arg15: memref<!tpu.dma_semaphore, #tpu.memory_space<semaphore_mem>>, %arg16: memref<!tpu.dma_semaphore, #tpu.memory_space<semaphore_mem>>, %arg17: memref<!tpu.dma_semaphore, #tpu.memory_space<semaphore_mem>>, %arg18: memref<!tpu.dma_semaphore, #tpu.memory_space<semaphore_mem>>) attributes {dimension_semantics = [#tpu.dimension_semantics<core_parallel>, #tpu.dimension_semantics<subcore_parallel>], iteration_bounds = array<i64: 2, 16>, scalar_prefetch = 0 : i64, scratch_operands = 12 : i64, tpu.core_type = #tpu.core_type<sc_vector_subcore>, window_params = [{transform_indices = #map}, {transform_indices = #map}, {transform_indices = #map1}, {transform_indices = #map1}, {transform_indices = #map}]} {
    %mul3A = arith.constant 2 : i32
    %mul3A_0 = arith.muli %arg1, %mul3A : i32
    %add3A = arith.addi %mul3A_0, %arg0 : i32
    %mul3A_1 = arith.constant 10000 : i32
    %mul3A_2 = arith.muli %add3A, %mul3A_1 : i32
    "tpu.region"() ({
      %run_scoped3A = tpu.sem_alloc : memref<!tpu.dma_semaphore, #tpu.memory_space<semaphore_mem>>
      %dma_start3A_52 = tpu.memref_slice %arg4[%mul3A_2] : memref<320000xi32, #tpu.memory_space<hbm>> -> memref<10000xi32, #tpu.memory_space<hbm>>
      %dma_start3A_53 = tpu.memref_slice %arg4[%mul3A_2] : memref<320000xi32, #tpu.memory_space<hbm>> -> memref<10000xi32, #tpu.memory_space<hbm>>
      tpu.enqueue_dma source(%dma_start3A_53 : memref<10000xi32, #tpu.memory_space<hbm>>) target(%arg7 : memref<10000xi32, #tpu.memory_space<vmem>>) target_semaphore(%run_scoped3A : memref<!tpu.dma_semaphore, #tpu.memory_space<semaphore_mem>>)
      %dma_wait3A_54 = tpu.memref_slice %arg4[%mul3A_2] : memref<320000xi32, #tpu.memory_space<hbm>> -> memref<10000xi32, #tpu.memory_space<hbm>>
      %dma_wait3A_55 = tpu.memref_slice %arg4[%mul3A_2] : memref<320000xi32, #tpu.memory_space<hbm>> -> memref<10000xi32, #tpu.memory_space<hbm>>
      tpu.wait_dma2 semaphore(%run_scoped3A : memref<!tpu.dma_semaphore, #tpu.memory_space<semaphore_mem>>) src(%dma_wait3A_55 : memref<10000xi32, #tpu.memory_space<hbm>>) dst(%arg7 : memref<10000xi32, #tpu.memory_space<vmem>>)
      tpu.yield
    }) : () -> ()
    "tpu.region"() ({
      %run_scoped3A = tpu.sem_alloc : memref<!tpu.dma_semaphore, #tpu.memory_space<semaphore_mem>>
      %dma_start3A_52 = tpu.memref_slice %arg5[%mul3A_2] : memref<320000xi32, #tpu.memory_space<hbm>> -> memref<10000xi32, #tpu.memory_space<hbm>>
      %dma_start3A_53 = tpu.memref_slice %arg5[%mul3A_2] : memref<320000xi32, #tpu.memory_space<hbm>> -> memref<10000xi32, #tpu.memory_space<hbm>>
      tpu.enqueue_dma source(%dma_start3A_53 : memref<10000xi32, #tpu.memory_space<hbm>>) target(%arg8 : memref<10000xi32, #tpu.memory_space<vmem>>) target_semaphore(%run_scoped3A : memref<!tpu.dma_semaphore, #tpu.memory_space<semaphore_mem>>)
      %dma_wait3A_54 = tpu.memref_slice %arg5[%mul3A_2] : memref<320000xi32, #tpu.memory_space<hbm>> -> memref<10000xi32, #tpu.memory_space<hbm>>
      %dma_wait3A_55 = tpu.memref_slice %arg5[%mul3A_2] : memref<320000xi32, #tpu.memory_space<hbm>> -> memref<10000xi32, #tpu.memory_space<hbm>>
      tpu.wait_dma2 semaphore(%run_scoped3A : memref<!tpu.dma_semaphore, #tpu.memory_space<semaphore_mem>>) src(%dma_wait3A_55 : memref<10000xi32, #tpu.memory_space<hbm>>) dst(%arg8 : memref<10000xi32, #tpu.memory_space<vmem>>)
      tpu.yield
    }) : () -> ()
    %dma_start3A = arith.constant 0 : i32
    %dma_start3A_3 = tpu.memref_slice %arg7[%dma_start3A] : memref<10000xi32, #tpu.memory_space<vmem>> -> memref<80xi32, #tpu.memory_space<vmem>>
    %dma_start3A_4 = arith.constant 0 : i32
    %dma_start3A_5 = arith.constant 0 : i32
    %dma_start3A_6 = tpu.memref_slice %arg2[%dma_start3A_4, %dma_start3A_5] : memref<10000x128xf32, #tpu.memory_space<hbm>> -> memref<10000x128xf32, #tpu.memory_space<hbm>>
    tpu.enqueue_indirect_dma source(%dma_start3A_6 : memref<10000x128xf32, #tpu.memory_space<hbm>>) target(%arg9 : memref<80x128xf32, #tpu.memory_space<vmem>>) offsets(%dma_start3A_3 : memref<80xi32, #tpu.memory_space<vmem>>) semaphore(%arg13 : memref<!tpu.dma_semaphore, #tpu.memory_space<semaphore_mem>>)
    %dma_start3A_7 = arith.constant 0 : i32
    %dma_start3A_8 = tpu.memref_slice %arg8[%dma_start3A_7] : memref<10000xi32, #tpu.memory_space<vmem>> -> memref<80xi32, #tpu.memory_space<vmem>>
    %dma_start3A_9 = arith.constant 0 : i32
    %dma_start3A_10 = arith.constant 0 : i32
    %dma_start3A_11 = tpu.memref_slice %arg3[%dma_start3A_9, %dma_start3A_10] : memref<10000x128xf32, #tpu.memory_space<hbm>> -> memref<10000x128xf32, #tpu.memory_space<hbm>>
    tpu.enqueue_indirect_dma source(%dma_start3A_11 : memref<10000x128xf32, #tpu.memory_space<hbm>>) target(%arg11 : memref<80x128xf32, #tpu.memory_space<vmem>>) offsets(%dma_start3A_8 : memref<80xi32, #tpu.memory_space<vmem>>) semaphore(%arg15 : memref<!tpu.dma_semaphore, #tpu.memory_space<semaphore_mem>>)
    %scan3A = arith.constant 0 : i32
    %scan3A_12 = arith.constant 0 : i32
    %scan3A_13 = arith.constant 62 : i32
    %scan3A_14 = arith.addi %scan3A_12, %scan3A_13 : i32
    %scan3A_15 = arith.constant 1 : i32
    scf.for %scan3A_52 = %scan3A_12 to %scan3A_14 step %scan3A_15  : i32 {
      %mul3A_53 = arith.constant 2 : i32
      %mul3A_54 = arith.muli %mul3A_53, %scan3A_52 : i32
      %add3A_55 = arith.constant 0 : i32
      %add3A_56 = arith.addi %mul3A_54, %add3A_55 : i32
      %dma_wait3A_57 = arith.constant 0 : i32
      %dma_wait3A_58 = arith.constant 0 : i32
      %dma_wait3A_59 = tpu.memref_slice %arg2[%dma_wait3A_57, %dma_wait3A_58] : memref<10000x128xf32, #tpu.memory_space<hbm>> -> memref<80x128xf32, #tpu.memory_space<hbm>>
      %dma_wait3A_60 = arith.constant 0 : i32
      %dma_wait3A_61 = arith.constant 0 : i32
      %dma_wait3A_62 = tpu.memref_slice %arg2[%dma_wait3A_60, %dma_wait3A_61] : memref<10000x128xf32, #tpu.memory_space<hbm>> -> memref<80x128xf32, #tpu.memory_space<hbm>>
      tpu.wait_dma2 semaphore(%arg13 : memref<!tpu.dma_semaphore, #tpu.memory_space<semaphore_mem>>) src(%dma_wait3A_62 : memref<80x128xf32, #tpu.memory_space<hbm>>) dst(%arg9 : memref<80x128xf32, #tpu.memory_space<vmem>>)
      %dma_wait3A_63 = arith.constant 0 : i32
      %dma_wait3A_64 = arith.constant 0 : i32
      %dma_wait3A_65 = tpu.memref_slice %arg3[%dma_wait3A_63, %dma_wait3A_64] : memref<10000x128xf32, #tpu.memory_space<hbm>> -> memref<80x128xf32, #tpu.memory_space<hbm>>
      %dma_wait3A_66 = arith.constant 0 : i32
      %dma_wait3A_67 = arith.constant 0 : i32
      %dma_wait3A_68 = tpu.memref_slice %arg3[%dma_wait3A_66, %dma_wait3A_67] : memref<10000x128xf32, #tpu.memory_space<hbm>> -> memref<80x128xf32, #tpu.memory_space<hbm>>
      tpu.wait_dma2 semaphore(%arg15 : memref<!tpu.dma_semaphore, #tpu.memory_space<semaphore_mem>>) src(%dma_wait3A_68 : memref<80x128xf32, #tpu.memory_space<hbm>>) dst(%arg11 : memref<80x128xf32, #tpu.memory_space<vmem>>)
      %add3A_69 = arith.constant 1 : i32
      %add3A_70 = arith.addi %add3A_56, %add3A_69 : i32
      %lt3A = arith.constant 125 : i32
      %lt3A_71 = arith.cmpi slt, %add3A_70, %lt3A : i32
      %convert_element_type3A = arith.extui %lt3A_71 : i1 to i32
      %cond3A = arith.constant 0 : i32
      %cond3A_72 = arith.cmpi ne, %convert_element_type3A, %cond3A : i32
      scf.if %cond3A_72 {
        %ge3A = arith.constant 1 : i32
        %ge3A_122 = arith.cmpi sge, %add3A_56, %ge3A : i32
        %convert_element_type3A_123 = arith.extui %ge3A_122 : i1 to i32
        %cond3A_124 = arith.constant 0 : i32
        %cond3A_125 = arith.cmpi ne, %convert_element_type3A_123, %cond3A_124 : i32
        scf.if %cond3A_125 {
          %dma_wait3A_138 = arith.constant 0 : i32
          %dma_wait3A_139 = arith.constant 0 : i32
          %dma_wait3A_140 = tpu.memref_slice %arg6[%dma_wait3A_138, %dma_wait3A_139] : memref<320000x128xf32, #tpu.memory_space<hbm>> -> memref<80x128xf32, #tpu.memory_space<hbm>>
          %dma_wait3A_141 = arith.constant 0 : i32
          %dma_wait3A_142 = arith.constant 0 : i32
          %dma_wait3A_143 = tpu.memref_slice %arg6[%dma_wait3A_141, %dma_wait3A_142] : memref<320000x128xf32, #tpu.memory_space<hbm>> -> memref<80x128xf32, #tpu.memory_space<hbm>>
          tpu.wait_dma2 semaphore(%arg18 : memref<!tpu.dma_semaphore, #tpu.memory_space<semaphore_mem>>) src(%arg10 : memref<80x128xf32, #tpu.memory_space<vmem>>) dst(%dma_wait3A_143 : memref<80x128xf32, #tpu.memory_space<hbm>>)
        } else {
        }
        %add3A_126 = arith.constant 1 : i32
        %add3A_127 = arith.addi %add3A_56, %add3A_126 : i32
        %mul3A_128 = arith.constant 80 : i32
        %mul3A_129 = arith.muli %add3A_127, %mul3A_128 : i32
        %dma_start3A_130 = tpu.memref_slice %arg7[%mul3A_129] : memref<10000xi32, #tpu.memory_space<vmem>> -> memref<80xi32, #tpu.memory_space<vmem>>
        %dma_start3A_131 = arith.constant 0 : i32
        %dma_start3A_132 = arith.constant 0 : i32
        %dma_start3A_133 = tpu.memref_slice %arg2[%dma_start3A_131, %dma_start3A_132] : memref<10000x128xf32, #tpu.memory_space<hbm>> -> memref<10000x128xf32, #tpu.memory_space<hbm>>
        tpu.enqueue_indirect_dma source(%dma_start3A_133 : memref<10000x128xf32, #tpu.memory_space<hbm>>) target(%arg10 : memref<80x128xf32, #tpu.memory_space<vmem>>) offsets(%dma_start3A_130 : memref<80xi32, #tpu.memory_space<vmem>>) semaphore(%arg14 : memref<!tpu.dma_semaphore, #tpu.memory_space<semaphore_mem>>)
        %dma_start3A_134 = tpu.memref_slice %arg8[%mul3A_129] : memref<10000xi32, #tpu.memory_space<vmem>> -> memref<80xi32, #tpu.memory_space<vmem>>
        %dma_start3A_135 = arith.constant 0 : i32
        %dma_start3A_136 = arith.constant 0 : i32
        %dma_start3A_137 = tpu.memref_slice %arg3[%dma_start3A_135, %dma_start3A_136] : memref<10000x128xf32, #tpu.memory_space<hbm>> -> memref<10000x128xf32, #tpu.memory_space<hbm>>
        tpu.enqueue_indirect_dma source(%dma_start3A_137 : memref<10000x128xf32, #tpu.memory_space<hbm>>) target(%arg12 : memref<80x128xf32, #tpu.memory_space<vmem>>) offsets(%dma_start3A_134 : memref<80xi32, #tpu.memory_space<vmem>>) semaphore(%arg16 : memref<!tpu.dma_semaphore, #tpu.memory_space<semaphore_mem>>)
      } else {
      }
      %scan3A_73 = arith.constant 0 : i32
      %scan3A_74 = arith.constant 0 : i32
      %scan3A_75 = arith.constant 80 : i32
      %scan3A_76 = arith.addi %scan3A_74, %scan3A_75 : i32
      %scan3A_77 = arith.constant 1 : i32
      scf.for %scan3A_122 = %scan3A_74 to %scan3A_76 step %scan3A_77  : i32 {
        %get3A = arith.index_cast %scan3A_122 : i32 to index
        %get3A_123 = arith.constant 0 : index
        %get3A_124 = tpu.vector_load %arg9[%get3A, %get3A_123] {strides = array<i32>} : memref<80x128xf32, #tpu.memory_space<vmem>>, vector<1x16xf32>,
        %get3A_125 = vector.shape_cast %get3A_124 : vector<1x16xf32> to vector<16xf32>
        %get3A_126 = arith.index_cast %scan3A_122 : i32 to index
        %get3A_127 = arith.constant 0 : index
        %get3A_128 = tpu.vector_load %arg11[%get3A_126, %get3A_127] {strides = array<i32>} : memref<80x128xf32, #tpu.memory_space<vmem>>, vector<1x16xf32>,
        %get3A_129 = vector.shape_cast %get3A_128 : vector<1x16xf32> to vector<16xf32>
        %add3A_130 = arith.addf %get3A_125, %get3A_129 : vector<16xf32>
        %swap3A = arith.index_cast %scan3A_122 : i32 to index
        %swap3A_131 = arith.constant 0 : index
        %swap3A_132 = tpu.vector_load %arg9[%swap3A, %swap3A_131] {strides = array<i32>} : memref<80x128xf32, #tpu.memory_space<vmem>>, vector<1x16xf32>,
        %swap3A_133 = vector.shape_cast %swap3A_132 : vector<1x16xf32> to vector<16xf32>
        %swap3A_134 = vector.shape_cast %add3A_130 : vector<16xf32> to vector<1x16xf32>
        tpu.vector_store %arg9[%swap3A, %swap3A_131], %swap3A_134 {strides = array<i32>} : memref<80x128xf32, #tpu.memory_space<vmem>>, vector<1x16xf32>,
        %get3A_135 = arith.index_cast %scan3A_122 : i32 to index
        %get3A_136 = arith.constant 16 : index
        %get3A_137 = tpu.vector_load %arg9[%get3A_135, %get3A_136] {strides = array<i32>} : memref<80x128xf32, #tpu.memory_space<vmem>>, vector<1x16xf32>,
        %get3A_138 = vector.shape_cast %get3A_137 : vector<1x16xf32> to vector<16xf32>
        %get3A_139 = arith.index_cast %scan3A_122 : i32 to index
        %get3A_140 = arith.constant 16 : index
        %get3A_141 = tpu.vector_load %arg11[%get3A_139, %get3A_140] {strides = array<i32>} : memref<80x128xf32, #tpu.memory_space<vmem>>, vector<1x16xf32>,
        %get3A_142 = vector.shape_cast %get3A_141 : vector<1x16xf32> to vector<16xf32>
        %add3A_143 = arith.addf %get3A_138, %get3A_142 : vector<16xf32>
        %swap3A_144 = arith.index_cast %scan3A_122 : i32 to index
        %swap3A_145 = arith.constant 16 : index
        %swap3A_146 = tpu.vector_load %arg9[%swap3A_144, %swap3A_145] {strides = array<i32>} : memref<80x128xf32, #tpu.memory_space<vmem>>, vector<1x16xf32>,
        %swap3A_147 = vector.shape_cast %swap3A_146 : vector<1x16xf32> to vector<16xf32>
        %swap3A_148 = vector.shape_cast %add3A_143 : vector<16xf32> to vector<1x16xf32>
        tpu.vector_store %arg9[%swap3A_144, %swap3A_145], %swap3A_148 {strides = array<i32>} : memref<80x128xf32, #tpu.memory_space<vmem>>, vector<1x16xf32>,
        %get3A_149 = arith.index_cast %scan3A_122 : i32 to index
        %get3A_150 = arith.constant 32 : index
        %get3A_151 = tpu.vector_load %arg9[%get3A_149, %get3A_150] {strides = array<i32>} : memref<80x128xf32, #tpu.memory_space<vmem>>, vector<1x16xf32>,
        %get3A_152 = vector.shape_cast %get3A_151 : vector<1x16xf32> to vector<16xf32>
        %get3A_153 = arith.index_cast %scan3A_122 : i32 to index
        %get3A_154 = arith.constant 32 : index
        %get3A_155 = tpu.vector_load %arg11[%get3A_153, %get3A_154] {strides = array<i32>} : memref<80x128xf32, #tpu.memory_space<vmem>>, vector<1x16xf32>,
        %get3A_156 = vector.shape_cast %get3A_155 : vector<1x16xf32> to vector<16xf32>
        %add3A_157 = arith.addf %get3A_152, %get3A_156 : vector<16xf32>
        %swap3A_158 = arith.index_cast %scan3A_122 : i32 to index
        %swap3A_159 = arith.constant 32 : index
        %swap3A_160 = tpu.vector_load %arg9[%swap3A_158, %swap3A_159] {strides = array<i32>} : memref<80x128xf32, #tpu.memory_space<vmem>>, vector<1x16xf32>,
        %swap3A_161 = vector.shape_cast %swap3A_160 : vector<1x16xf32> to vector<16xf32>
        %swap3A_162 = vector.shape_cast %add3A_157 : vector<16xf32> to vector<1x16xf32>
        tpu.vector_store %arg9[%swap3A_158, %swap3A_159], %swap3A_162 {strides = array<i32>} : memref<80x128xf32, #tpu.memory_space<vmem>>, vector<1x16xf32>,
        %get3A_163 = arith.index_cast %scan3A_122 : i32 to index
        %get3A_164 = arith.constant 48 : index
        %get3A_165 = tpu.vector_load %arg9[%get3A_163, %get3A_164] {strides = array<i32>} : memref<80x128xf32, #tpu.memory_space<vmem>>, vector<1x16xf32>,
        %get3A_166 = vector.shape_cast %get3A_165 : vector<1x16xf32> to vector<16xf32>
        %get3A_167 = arith.index_cast %scan3A_122 : i32 to index
        %get3A_168 = arith.constant 48 : index
        %get3A_169 = tpu.vector_load %arg11[%get3A_167, %get3A_168] {strides = array<i32>} : memref<80x128xf32, #tpu.memory_space<vmem>>, vector<1x16xf32>,
        %get3A_170 = vector.shape_cast %get3A_169 : vector<1x16xf32> to vector<16xf32>
        %add3A_171 = arith.addf %get3A_166, %get3A_170 : vector<16xf32>
        %swap3A_172 = arith.index_cast %scan3A_122 : i32 to index
        %swap3A_173 = arith.constant 48 : index
        %swap3A_174 = tpu.vector_load %arg9[%swap3A_172, %swap3A_173] {strides = array<i32>} : memref<80x128xf32, #tpu.memory_space<vmem>>, vector<1x16xf32>,
        %swap3A_175 = vector.shape_cast %swap3A_174 : vector<1x16xf32> to vector<16xf32>
        %swap3A_176 = vector.shape_cast %add3A_171 : vector<16xf32> to vector<1x16xf32>
        tpu.vector_store %arg9[%swap3A_172, %swap3A_173], %swap3A_176 {strides = array<i32>} : memref<80x128xf32, #tpu.memory_space<vmem>>, vector<1x16xf32>,
        %get3A_177 = arith.index_cast %scan3A_122 : i32 to index
        %get3A_178 = arith.constant 64 : index
        %get3A_179 = tpu.vector_load %arg9[%get3A_177, %get3A_178] {strides = array<i32>} : memref<80x128xf32, #tpu.memory_space<vmem>>, vector<1x16xf32>,
        %get3A_180 = vector.shape_cast %get3A_179 : vector<1x16xf32> to vector<16xf32>
        %get3A_181 = arith.index_cast %scan3A_122 : i32 to index
        %get3A_182 = arith.constant 64 : index
        %get3A_183 = tpu.vector_load %arg11[%get3A_181, %get3A_182] {strides = array<i32>} : memref<80x128xf32, #tpu.memory_space<vmem>>, vector<1x16xf32>,
        %get3A_184 = vector.shape_cast %get3A_183 : vector<1x16xf32> to vector<16xf32>
        %add3A_185 = arith.addf %get3A_180, %get3A_184 : vector<16xf32>
        %swap3A_186 = arith.index_cast %scan3A_122 : i32 to index
        %swap3A_187 = arith.constant 64 : index
        %swap3A_188 = tpu.vector_load %arg9[%swap3A_186, %swap3A_187] {strides = array<i32>} : memref<80x128xf32, #tpu.memory_space<vmem>>, vector<1x16xf32>,
        %swap3A_189 = vector.shape_cast %swap3A_188 : vector<1x16xf32> to vector<16xf32>
        %swap3A_190 = vector.shape_cast %add3A_185 : vector<16xf32> to vector<1x16xf32>
        tpu.vector_store %arg9[%swap3A_186, %swap3A_187], %swap3A_190 {strides = array<i32>} : memref<80x128xf32, #tpu.memory_space<vmem>>, vector<1x16xf32>,
        %get3A_191 = arith.index_cast %scan3A_122 : i32 to index
        %get3A_192 = arith.constant 80 : index
        %get3A_193 = tpu.vector_load %arg9[%get3A_191, %get3A_192] {strides = array<i32>} : memref<80x128xf32, #tpu.memory_space<vmem>>, vector<1x16xf32>,
        %get3A_194 = vector.shape_cast %get3A_193 : vector<1x16xf32> to vector<16xf32>
        %get3A_195 = arith.index_cast %scan3A_122 : i32 to index
        %get3A_196 = arith.constant 80 : index
        %get3A_197 = tpu.vector_load %arg11[%get3A_195, %get3A_196] {strides = array<i32>} : memref<80x128xf32, #tpu.memory_space<vmem>>, vector<1x16xf32>,
        %get3A_198 = vector.shape_cast %get3A_197 : vector<1x16xf32> to vector<16xf32>
        %add3A_199 = arith.addf %get3A_194, %get3A_198 : vector<16xf32>
        %swap3A_200 = arith.index_cast %scan3A_122 : i32 to index
        %swap3A_201 = arith.constant 80 : index
        %swap3A_202 = tpu.vector_load %arg9[%swap3A_200, %swap3A_201] {strides = array<i32>} : memref<80x128xf32, #tpu.memory_space<vmem>>, vector<1x16xf32>,
        %swap3A_203 = vector.shape_cast %swap3A_202 : vector<1x16xf32> to vector<16xf32>
        %swap3A_204 = vector.shape_cast %add3A_199 : vector<16xf32> to vector<1x16xf32>
        tpu.vector_store %arg9[%swap3A_200, %swap3A_201], %swap3A_204 {strides = array<i32>} : memref<80x128xf32, #tpu.memory_space<vmem>>, vector<1x16xf32>,
        %get3A_205 = arith.index_cast %scan3A_122 : i32 to index
        %get3A_206 = arith.constant 96 : index
        %get3A_207 = tpu.vector_load %arg9[%get3A_205, %get3A_206] {strides = array<i32>} : memref<80x128xf32, #tpu.memory_space<vmem>>, vector<1x16xf32>,
        %get3A_208 = vector.shape_cast %get3A_207 : vector<1x16xf32> to vector<16xf32>
        %get3A_209 = arith.index_cast %scan3A_122 : i32 to index
        %get3A_210 = arith.constant 96 : index
        %get3A_211 = tpu.vector_load %arg11[%get3A_209, %get3A_210] {strides = array<i32>} : memref<80x128xf32, #tpu.memory_space<vmem>>, vector<1x16xf32>,
        %get3A_212 = vector.shape_cast %get3A_211 : vector<1x16xf32> to vector<16xf32>
        %add3A_213 = arith.addf %get3A_208, %get3A_212 : vector<16xf32>
        %swap3A_214 = arith.index_cast %scan3A_122 : i32 to index
        %swap3A_215 = arith.constant 96 : index
        %swap3A_216 = tpu.vector_load %arg9[%swap3A_214, %swap3A_215] {strides = array<i32>} : memref<80x128xf32, #tpu.memory_space<vmem>>, vector<1x16xf32>,
        %swap3A_217 = vector.shape_cast %swap3A_216 : vector<1x16xf32> to vector<16xf32>
        %swap3A_218 = vector.shape_cast %add3A_213 : vector<16xf32> to vector<1x16xf32>
        tpu.vector_store %arg9[%swap3A_214, %swap3A_215], %swap3A_218 {strides = array<i32>} : memref<80x128xf32, #tpu.memory_space<vmem>>, vector<1x16xf32>,
        %get3A_219 = arith.index_cast %scan3A_122 : i32 to index
        %get3A_220 = arith.constant 112 : index
        %get3A_221 = tpu.vector_load %arg9[%get3A_219, %get3A_220] {strides = array<i32>} : memref<80x128xf32, #tpu.memory_space<vmem>>, vector<1x16xf32>,
        %get3A_222 = vector.shape_cast %get3A_221 : vector<1x16xf32> to vector<16xf32>
        %get3A_223 = arith.index_cast %scan3A_122 : i32 to index
        %get3A_224 = arith.constant 112 : index
        %get3A_225 = tpu.vector_load %arg11[%get3A_223, %get3A_224] {strides = array<i32>} : memref<80x128xf32, #tpu.memory_space<vmem>>, vector<1x16xf32>,
        %get3A_226 = vector.shape_cast %get3A_225 : vector<1x16xf32> to vector<16xf32>
        %add3A_227 = arith.addf %get3A_222, %get3A_226 : vector<16xf32>
        %swap3A_228 = arith.index_cast %scan3A_122 : i32 to index
        %swap3A_229 = arith.constant 112 : index
        %swap3A_230 = tpu.vector_load %arg9[%swap3A_228, %swap3A_229] {strides = array<i32>} : memref<80x128xf32, #tpu.memory_space<vmem>>, vector<1x16xf32>,
        %swap3A_231 = vector.shape_cast %swap3A_230 : vector<1x16xf32> to vector<16xf32>
        %swap3A_232 = vector.shape_cast %add3A_227 : vector<16xf32> to vector<1x16xf32>
        tpu.vector_store %arg9[%swap3A_228, %swap3A_229], %swap3A_232 {strides = array<i32>} : memref<80x128xf32, #tpu.memory_space<vmem>>, vector<1x16xf32>,
      }
      %scan3A_78 = arith.constant 80 : i32
      %mul3A_79 = arith.constant 80 : i32
      %mul3A_80 = arith.muli %add3A_56, %mul3A_79 : i32
      %add3A_81 = arith.addi %mul3A_2, %mul3A_80 : i32
      %dma_start3A_82 = arith.constant 0 : i32
      %dma_start3A_83 = tpu.memref_slice %arg6[%add3A_81, %dma_start3A_82] : memref<320000x128xf32, #tpu.memory_space<hbm>> -> memref<80x128xf32, #tpu.memory_space<hbm>>
      %dma_start3A_84 = arith.constant 0 : i32
      %dma_start3A_85 = tpu.memref_slice %arg6[%add3A_81, %dma_start3A_84] : memref<320000x128xf32, #tpu.memory_space<hbm>> -> memref<80x128xf32, #tpu.memory_space<hbm>>
      tpu.enqueue_dma source(%arg9 : memref<80x128xf32, #tpu.memory_space<vmem>>) target(%dma_start3A_85 : memref<80x128xf32, #tpu.memory_space<hbm>>) target_semaphore(%arg17 : memref<!tpu.dma_semaphore, #tpu.memory_space<semaphore_mem>>)
      %mul3A_86 = arith.constant 2 : i32
      %mul3A_87 = arith.muli %mul3A_86, %scan3A_52 : i32
      %add3A_88 = arith.constant 1 : i32
      %add3A_89 = arith.addi %mul3A_87, %add3A_88 : i32
      %dma_wait3A_90 = arith.constant 0 : i32
      %dma_wait3A_91 = arith.constant 0 : i32
      %dma_wait3A_92 = tpu.memref_slice %arg2[%dma_wait3A_90, %dma_wait3A_91] : memref<10000x128xf32, #tpu.memory_space<hbm>> -> memref<80x128xf32, #tpu.memory_space<hbm>>
      %dma_wait3A_93 = arith.constant 0 : i32
      %dma_wait3A_94 = arith.constant 0 : i32
      %dma_wait3A_95 = tpu.memref_slice %arg2[%dma_wait3A_93, %dma_wait3A_94] : memref<10000x128xf32, #tpu.memory_space<hbm>> -> memref<80x128xf32, #tpu.memory_space<hbm>>
      tpu.wait_dma2 semaphore(%arg14 : memref<!tpu.dma_semaphore, #tpu.memory_space<semaphore_mem>>) src(%dma_wait3A_95 : memref<80x128xf32, #tpu.memory_space<hbm>>) dst(%arg10 : memref<80x128xf32, #tpu.memory_space<vmem>>)
      %dma_wait3A_96 = arith.constant 0 : i32
      %dma_wait3A_97 = arith.constant 0 : i32
      %dma_wait3A_98 = tpu.memref_slice %arg3[%dma_wait3A_96, %dma_wait3A_97] : memref<10000x128xf32, #tpu.memory_space<hbm>> -> memref<80x128xf32, #tpu.memory_space<hbm>>
      %dma_wait3A_99 = arith.constant 0 : i32
      %dma_wait3A_100 = arith.constant 0 : i32
      %dma_wait3A_101 = tpu.memref_slice %arg3[%dma_wait3A_99, %dma_wait3A_100] : memref<10000x128xf32, #tpu.memory_space<hbm>> -> memref<80x128xf32, #tpu.memory_space<hbm>>
      tpu.wait_dma2 semaphore(%arg16 : memref<!tpu.dma_semaphore, #tpu.memory_space<semaphore_mem>>) src(%dma_wait3A_101 : memref<80x128xf32, #tpu.memory_space<hbm>>) dst(%arg12 : memref<80x128xf32, #tpu.memory_space<vmem>>)
      %add3A_102 = arith.constant 1 : i32
      %add3A_103 = arith.addi %add3A_89, %add3A_102 : i32
      %lt3A_104 = arith.constant 125 : i32
      %lt3A_105 = arith.cmpi slt, %add3A_103, %lt3A_104 : i32
      %convert_element_type3A_106 = arith.extui %lt3A_105 : i1 to i32
      %cond3A_107 = arith.constant 0 : i32
      %cond3A_108 = arith.cmpi ne, %convert_element_type3A_106, %cond3A_107 : i32
      scf.if %cond3A_108 {
        %ge3A = arith.constant 1 : i32
        %ge3A_122 = arith.cmpi sge, %add3A_89, %ge3A : i32
        %convert_element_type3A_123 = arith.extui %ge3A_122 : i1 to i32
        %cond3A_124 = arith.constant 0 : i32
        %cond3A_125 = arith.cmpi ne, %convert_element_type3A_123, %cond3A_124 : i32
        scf.if %cond3A_125 {
          %dma_wait3A_138 = arith.constant 0 : i32
          %dma_wait3A_139 = arith.constant 0 : i32
          %dma_wait3A_140 = tpu.memref_slice %arg6[%dma_wait3A_138, %dma_wait3A_139] : memref<320000x128xf32, #tpu.memory_space<hbm>> -> memref<80x128xf32, #tpu.memory_space<hbm>>
          %dma_wait3A_141 = arith.constant 0 : i32
          %dma_wait3A_142 = arith.constant 0 : i32
          %dma_wait3A_143 = tpu.memref_slice %arg6[%dma_wait3A_141, %dma_wait3A_142] : memref<320000x128xf32, #tpu.memory_space<hbm>> -> memref<80x128xf32, #tpu.memory_space<hbm>>
          tpu.wait_dma2 semaphore(%arg17 : memref<!tpu.dma_semaphore, #tpu.memory_space<semaphore_mem>>) src(%arg9 : memref<80x128xf32, #tpu.memory_space<vmem>>) dst(%dma_wait3A_143 : memref<80x128xf32, #tpu.memory_space<hbm>>)
        } else {
        }
        %add3A_126 = arith.constant 1 : i32
        %add3A_127 = arith.addi %add3A_89, %add3A_126 : i32
        %mul3A_128 = arith.constant 80 : i32
        %mul3A_129 = arith.muli %add3A_127, %mul3A_128 : i32
        %dma_start3A_130 = tpu.memref_slice %arg7[%mul3A_129] : memref<10000xi32, #tpu.memory_space<vmem>> -> memref<80xi32, #tpu.memory_space<vmem>>
        %dma_start3A_131 = arith.constant 0 : i32
        %dma_start3A_132 = arith.constant 0 : i32
        %dma_start3A_133 = tpu.memref_slice %arg2[%dma_start3A_131, %dma_start3A_132] : memref<10000x128xf32, #tpu.memory_space<hbm>> -> memref<10000x128xf32, #tpu.memory_space<hbm>>
        tpu.enqueue_indirect_dma source(%dma_start3A_133 : memref<10000x128xf32, #tpu.memory_space<hbm>>) target(%arg9 : memref<80x128xf32, #tpu.memory_space<vmem>>) offsets(%dma_start3A_130 : memref<80xi32, #tpu.memory_space<vmem>>) semaphore(%arg13 : memref<!tpu.dma_semaphore, #tpu.memory_space<semaphore_mem>>)
        %dma_start3A_134 = tpu.memref_slice %arg8[%mul3A_129] : memref<10000xi32, #tpu.memory_space<vmem>> -> memref<80xi32, #tpu.memory_space<vmem>>
        %dma_start3A_135 = arith.constant 0 : i32
        %dma_start3A_136 = arith.constant 0 : i32
        %dma_start3A_137 = tpu.memref_slice %arg3[%dma_start3A_135, %dma_start3A_136] : memref<10000x128xf32, #tpu.memory_space<hbm>> -> memref<10000x128xf32, #tpu.memory_space<hbm>>
        tpu.enqueue_indirect_dma source(%dma_start3A_137 : memref<10000x128xf32, #tpu.memory_space<hbm>>) target(%arg11 : memref<80x128xf32, #tpu.memory_space<vmem>>) offsets(%dma_start3A_134 : memref<80xi32, #tpu.memory_space<vmem>>) semaphore(%arg15 : memref<!tpu.dma_semaphore, #tpu.memory_space<semaphore_mem>>)
      } else {
      }
      %scan3A_109 = arith.constant 0 : i32
      %scan3A_110 = arith.constant 0 : i32
      %scan3A_111 = arith.constant 80 : i32
      %scan3A_112 = arith.addi %scan3A_110, %scan3A_111 : i32
      %scan3A_113 = arith.constant 1 : i32
      scf.for %scan3A_122 = %scan3A_110 to %scan3A_112 step %scan3A_113  : i32 {
        %get3A = arith.index_cast %scan3A_122 : i32 to index
        %get3A_123 = arith.constant 0 : index
        %get3A_124 = tpu.vector_load %arg10[%get3A, %get3A_123] {strides = array<i32>} : memref<80x128xf32, #tpu.memory_space<vmem>>, vector<1x16xf32>,
        %get3A_125 = vector.shape_cast %get3A_124 : vector<1x16xf32> to vector<16xf32>
        %get3A_126 = arith.index_cast %scan3A_122 : i32 to index
        %get3A_127 = arith.constant 0 : index
        %get3A_128 = tpu.vector_load %arg12[%get3A_126, %get3A_127] {strides = array<i32>} : memref<80x128xf32, #tpu.memory_space<vmem>>, vector<1x16xf32>,
        %get3A_129 = vector.shape_cast %get3A_128 : vector<1x16xf32> to vector<16xf32>
        %add3A_130 = arith.addf %get3A_125, %get3A_129 : vector<16xf32>
        %swap3A = arith.index_cast %scan3A_122 : i32 to index
        %swap3A_131 = arith.constant 0 : index
        %swap3A_132 = tpu.vector_load %arg10[%swap3A, %swap3A_131] {strides = array<i32>} : memref<80x128xf32, #tpu.memory_space<vmem>>, vector<1x16xf32>,
        %swap3A_133 = vector.shape_cast %swap3A_132 : vector<1x16xf32> to vector<16xf32>
        %swap3A_134 = vector.shape_cast %add3A_130 : vector<16xf32> to vector<1x16xf32>
        tpu.vector_store %arg10[%swap3A, %swap3A_131], %swap3A_134 {strides = array<i32>} : memref<80x128xf32, #tpu.memory_space<vmem>>, vector<1x16xf32>,
        %get3A_135 = arith.index_cast %scan3A_122 : i32 to index
        %get3A_136 = arith.constant 16 : index
        %get3A_137 = tpu.vector_load %arg10[%get3A_135, %get3A_136] {strides = array<i32>} : memref<80x128xf32, #tpu.memory_space<vmem>>, vector<1x16xf32>,
        %get3A_138 = vector.shape_cast %get3A_137 : vector<1x16xf32> to vector<16xf32>
        %get3A_139 = arith.index_cast %scan3A_122 : i32 to index
        %get3A_140 = arith.constant 16 : index
        %get3A_141 = tpu.vector_load %arg12[%get3A_139, %get3A_140] {strides = array<i32>} : memref<80x128xf32, #tpu.memory_space<vmem>>, vector<1x16xf32>,
        %get3A_142 = vector.shape_cast %get3A_141 : vector<1x16xf32> to vector<16xf32>
        %add3A_143 = arith.addf %get3A_138, %get3A_142 : vector<16xf32>
        %swap3A_144 = arith.index_cast %scan3A_122 : i32 to index
        %swap3A_145 = arith.constant 16 : index
        %swap3A_146 = tpu.vector_load %arg10[%swap3A_144, %swap3A_145] {strides = array<i32>} : memref<80x128xf32, #tpu.memory_space<vmem>>, vector<1x16xf32>,
        %swap3A_147 = vector.shape_cast %swap3A_146 : vector<1x16xf32> to vector<16xf32>
        %swap3A_148 = vector.shape_cast %add3A_143 : vector<16xf32> to vector<1x16xf32>
        tpu.vector_store %arg10[%swap3A_144, %swap3A_145], %swap3A_148 {strides = array<i32>} : memref<80x128xf32, #tpu.memory_space<vmem>>, vector<1x16xf32>,
        %get3A_149 = arith.index_cast %scan3A_122 : i32 to index
        %get3A_150 = arith.constant 32 : index
        %get3A_151 = tpu.vector_load %arg10[%get3A_149, %get3A_150] {strides = array<i32>} : memref<80x128xf32, #tpu.memory_space<vmem>>, vector<1x16xf32>,
        %get3A_152 = vector.shape_cast %get3A_151 : vector<1x16xf32> to vector<16xf32>
        %get3A_153 = arith.index_cast %scan3A_122 : i32 to index
        %get3A_154 = arith.constant 32 : index
        %get3A_155 = tpu.vector_load %arg12[%get3A_153, %get3A_154] {strides = array<i32>} : memref<80x128xf32, #tpu.memory_space<vmem>>, vector<1x16xf32>,
        %get3A_156 = vector.shape_cast %get3A_155 : vector<1x16xf32> to vector<16xf32>
        %add3A_157 = arith.addf %get3A_152, %get3A_156 : vector<16xf32>
        %swap3A_158 = arith.index_cast %scan3A_122 : i32 to index
        %swap3A_159 = arith.constant 32 : index
        %swap3A_160 = tpu.vector_load %arg10[%swap3A_158, %swap3A_159] {strides = array<i32>} : memref<80x128xf32, #tpu.memory_space<vmem>>, vector<1x16xf32>,
        %swap3A_161 = vector.shape_cast %swap3A_160 : vector<1x16xf32> to vector<16xf32>
        %swap3A_162 = vector.shape_cast %add3A_157 : vector<16xf32> to vector<1x16xf32>
        tpu.vector_store %arg10[%swap3A_158, %swap3A_159], %swap3A_162 {strides = array<i32>} : memref<80x128xf32, #tpu.memory_space<vmem>>, vector<1x16xf32>,
        %get3A_163 = arith.index_cast %scan3A_122 : i32 to index
        %get3A_164 = arith.constant 48 : index
        %get3A_165 = tpu.vector_load %arg10[%get3A_163, %get3A_164] {strides = array<i32>} : memref<80x128xf32, #tpu.memory_space<vmem>>, vector<1x16xf32>,
        %get3A_166 = vector.shape_cast %get3A_165 : vector<1x16xf32> to vector<16xf32>
        %get3A_167 = arith.index_cast %scan3A_122 : i32 to index
        %get3A_168 = arith.constant 48 : index
        %get3A_169 = tpu.vector_load %arg12[%get3A_167, %get3A_168] {strides = array<i32>} : memref<80x128xf32, #tpu.memory_space<vmem>>, vector<1x16xf32>,
        %get3A_170 = vector.shape_cast %get3A_169 : vector<1x16xf32> to vector<16xf32>
        %add3A_171 = arith.addf %get3A_166, %get3A_170 : vector<16xf32>
        %swap3A_172 = arith.index_cast %scan3A_122 : i32 to index
        %swap3A_173 = arith.constant 48 : index
        %swap3A_174 = tpu.vector_load %arg10[%swap3A_172, %swap3A_173] {strides = array<i32>} : memref<80x128xf32, #tpu.memory_space<vmem>>, vector<1x16xf32>,
        %swap3A_175 = vector.shape_cast %swap3A_174 : vector<1x16xf32> to vector<16xf32>
        %swap3A_176 = vector.shape_cast %add3A_171 : vector<16xf32> to vector<1x16xf32>
        tpu.vector_store %arg10[%swap3A_172, %swap3A_173], %swap3A_176 {strides = array<i32>} : memref<80x128xf32, #tpu.memory_space<vmem>>, vector<1x16xf32>,
        %get3A_177 = arith.index_cast %scan3A_122 : i32 to index
        %get3A_178 = arith.constant 64 : index
        %get3A_179 = tpu.vector_load %arg10[%get3A_177, %get3A_178] {strides = array<i32>} : memref<80x128xf32, #tpu.memory_space<vmem>>, vector<1x16xf32>,
        %get3A_180 = vector.shape_cast %get3A_179 : vector<1x16xf32> to vector<16xf32>
        %get3A_181 = arith.index_cast %scan3A_122 : i32 to index
        %get3A_182 = arith.constant 64 : index
        %get3A_183 = tpu.vector_load %arg12[%get3A_181, %get3A_182] {strides = array<i32>} : memref<80x128xf32, #tpu.memory_space<vmem>>, vector<1x16xf32>,
        %get3A_184 = vector.shape_cast %get3A_183 : vector<1x16xf32> to vector<16xf32>
        %add3A_185 = arith.addf %get3A_180, %get3A_184 : vector<16xf32>
        %swap3A_186 = arith.index_cast %scan3A_122 : i32 to index
        %swap3A_187 = arith.constant 64 : index
        %swap3A_188 = tpu.vector_load %arg10[%swap3A_186, %swap3A_187] {strides = array<i32>} : memref<80x128xf32, #tpu.memory_space<vmem>>, vector<1x16xf32>,
        %swap3A_189 = vector.shape_cast %swap3A_188 : vector<1x16xf32> to vector<16xf32>
        %swap3A_190 = vector.shape_cast %add3A_185 : vector<16xf32> to vector<1x16xf32>
        tpu.vector_store %arg10[%swap3A_186, %swap3A_187], %swap3A_190 {strides = array<i32>} : memref<80x128xf32, #tpu.memory_space<vmem>>, vector<1x16xf32>,
        %get3A_191 = arith.index_cast %scan3A_122 : i32 to index
        %get3A_192 = arith.constant 80 : index
        %get3A_193 = tpu.vector_load %arg10[%get3A_191, %get3A_192] {strides = array<i32>} : memref<80x128xf32, #tpu.memory_space<vmem>>, vector<1x16xf32>,
        %get3A_194 = vector.shape_cast %get3A_193 : vector<1x16xf32> to vector<16xf32>
        %get3A_195 = arith.index_cast %scan3A_122 : i32 to index
        %get3A_196 = arith.constant 80 : index
        %get3A_197 = tpu.vector_load %arg12[%get3A_195, %get3A_196] {strides = array<i32>} : memref<80x128xf32, #tpu.memory_space<vmem>>, vector<1x16xf32>,
        %get3A_198 = vector.shape_cast %get3A_197 : vector<1x16xf32> to vector<16xf32>
        %add3A_199 = arith.addf %get3A_194, %get3A_198 : vector<16xf32>
        %swap3A_200 = arith.index_cast %scan3A_122 : i32 to index
        %swap3A_201 = arith.constant 80 : index
        %swap3A_202 = tpu.vector_load %arg10[%swap3A_200, %swap3A_201] {strides = array<i32>} : memref<80x128xf32, #tpu.memory_space<vmem>>, vector<1x16xf32>,
        %swap3A_203 = vector.shape_cast %swap3A_202 : vector<1x16xf32> to vector<16xf32>
        %swap3A_204 = vector.shape_cast %add3A_199 : vector<16xf32> to vector<1x16xf32>
        tpu.vector_store %arg10[%swap3A_200, %swap3A_201], %swap3A_204 {strides = array<i32>} : memref<80x128xf32, #tpu.memory_space<vmem>>, vector<1x16xf32>,
        %get3A_205 = arith.index_cast %scan3A_122 : i32 to index
        %get3A_206 = arith.constant 96 : index
        %get3A_207 = tpu.vector_load %arg10[%get3A_205, %get3A_206] {strides = array<i32>} : memref<80x128xf32, #tpu.memory_space<vmem>>, vector<1x16xf32>,
        %get3A_208 = vector.shape_cast %get3A_207 : vector<1x16xf32> to vector<16xf32>
        %get3A_209 = arith.index_cast %scan3A_122 : i32 to index
        %get3A_210 = arith.constant 96 : index
        %get3A_211 = tpu.vector_load %arg12[%get3A_209, %get3A_210] {strides = array<i32>} : memref<80x128xf32, #tpu.memory_space<vmem>>, vector<1x16xf32>,
        %get3A_212 = vector.shape_cast %get3A_211 : vector<1x16xf32> to vector<16xf32>
        %add3A_213 = arith.addf %get3A_208, %get3A_212 : vector<16xf32>
        %swap3A_214 = arith.index_cast %scan3A_122 : i32 to index
        %swap3A_215 = arith.constant 96 : index
        %swap3A_216 = tpu.vector_load %arg10[%swap3A_214, %swap3A_215] {strides = array<i32>} : memref<80x128xf32, #tpu.memory_space<vmem>>, vector<1x16xf32>,
        %swap3A_217 = vector.shape_cast %swap3A_216 : vector<1x16xf32> to vector<16xf32>
        %swap3A_218 = vector.shape_cast %add3A_213 : vector<16xf32> to vector<1x16xf32>
        tpu.vector_store %arg10[%swap3A_214, %swap3A_215], %swap3A_218 {strides = array<i32>} : memref<80x128xf32, #tpu.memory_space<vmem>>, vector<1x16xf32>,
        %get3A_219 = arith.index_cast %scan3A_122 : i32 to index
        %get3A_220 = arith.constant 112 : index
        %get3A_221 = tpu.vector_load %arg10[%get3A_219, %get3A_220] {strides = array<i32>} : memref<80x128xf32, #tpu.memory_space<vmem>>, vector<1x16xf32>,
        %get3A_222 = vector.shape_cast %get3A_221 : vector<1x16xf32> to vector<16xf32>
        %get3A_223 = arith.index_cast %scan3A_122 : i32 to index
        %get3A_224 = arith.constant 112 : index
        %get3A_225 = tpu.vector_load %arg12[%get3A_223, %get3A_224] {strides = array<i32>} : memref<80x128xf32, #tpu.memory_space<vmem>>, vector<1x16xf32>,
        %get3A_226 = vector.shape_cast %get3A_225 : vector<1x16xf32> to vector<16xf32>
        %add3A_227 = arith.addf %get3A_222, %get3A_226 : vector<16xf32>
        %swap3A_228 = arith.index_cast %scan3A_122 : i32 to index
        %swap3A_229 = arith.constant 112 : index
        %swap3A_230 = tpu.vector_load %arg10[%swap3A_228, %swap3A_229] {strides = array<i32>} : memref<80x128xf32, #tpu.memory_space<vmem>>, vector<1x16xf32>,
        %swap3A_231 = vector.shape_cast %swap3A_230 : vector<1x16xf32> to vector<16xf32>
        %swap3A_232 = vector.shape_cast %add3A_227 : vector<16xf32> to vector<1x16xf32>
        tpu.vector_store %arg10[%swap3A_228, %swap3A_229], %swap3A_232 {strides = array<i32>} : memref<80x128xf32, #tpu.memory_space<vmem>>, vector<1x16xf32>,
      }
      %scan3A_114 = arith.constant 80 : i32
      %mul3A_115 = arith.constant 80 : i32
      %mul3A_116 = arith.muli %add3A_89, %mul3A_115 : i32
      %add3A_117 = arith.addi %mul3A_2, %mul3A_116 : i32
      %dma_start3A_118 = arith.constant 0 : i32
      %dma_start3A_119 = tpu.memref_slice %arg6[%add3A_117, %dma_start3A_118] : memref<320000x128xf32, #tpu.memory_space<hbm>> -> memref<80x128xf32, #tpu.memory_space<hbm>>
      %dma_start3A_120 = arith.constant 0 : i32
      %dma_start3A_121 = tpu.memref_slice %arg6[%add3A_117, %dma_start3A_120] : memref<320000x128xf32, #tpu.memory_space<hbm>> -> memref<80x128xf32, #tpu.memory_space<hbm>>
      tpu.enqueue_dma source(%arg10 : memref<80x128xf32, #tpu.memory_space<vmem>>) target(%dma_start3A_121 : memref<80x128xf32, #tpu.memory_space<hbm>>) target_semaphore(%arg18 : memref<!tpu.dma_semaphore, #tpu.memory_space<semaphore_mem>>)
    }
    %scan3A_16 = arith.constant 62 : i32
    %dma_wait3A = arith.constant 0 : i32
    %dma_wait3A_17 = arith.constant 0 : i32
    %dma_wait3A_18 = tpu.memref_slice %arg2[%dma_wait3A, %dma_wait3A_17] : memref<10000x128xf32, #tpu.memory_space<hbm>> -> memref<80x128xf32, #tpu.memory_space<hbm>>
    %dma_wait3A_19 = arith.constant 0 : i32
    %dma_wait3A_20 = arith.constant 0 : i32
    %dma_wait3A_21 = tpu.memref_slice %arg2[%dma_wait3A_19, %dma_wait3A_20] : memref<10000x128xf32, #tpu.memory_space<hbm>> -> memref<80x128xf32, #tpu.memory_space<hbm>>
    tpu.wait_dma2 semaphore(%arg13 : memref<!tpu.dma_semaphore, #tpu.memory_space<semaphore_mem>>) src(%dma_wait3A_21 : memref<80x128xf32, #tpu.memory_space<hbm>>) dst(%arg9 : memref<80x128xf32, #tpu.memory_space<vmem>>)
    %dma_wait3A_22 = arith.constant 0 : i32
    %dma_wait3A_23 = arith.constant 0 : i32
    %dma_wait3A_24 = tpu.memref_slice %arg3[%dma_wait3A_22, %dma_wait3A_23] : memref<10000x128xf32, #tpu.memory_space<hbm>> -> memref<80x128xf32, #tpu.memory_space<hbm>>
    %dma_wait3A_25 = arith.constant 0 : i32
    %dma_wait3A_26 = arith.constant 0 : i32
    %dma_wait3A_27 = tpu.memref_slice %arg3[%dma_wait3A_25, %dma_wait3A_26] : memref<10000x128xf32, #tpu.memory_space<hbm>> -> memref<80x128xf32, #tpu.memory_space<hbm>>
    tpu.wait_dma2 semaphore(%arg15 : memref<!tpu.dma_semaphore, #tpu.memory_space<semaphore_mem>>) src(%dma_wait3A_27 : memref<80x128xf32, #tpu.memory_space<hbm>>) dst(%arg11 : memref<80x128xf32, #tpu.memory_space<vmem>>)
    %scan3A_28 = arith.constant 0 : i32
    %scan3A_29 = arith.constant 0 : i32
    %scan3A_30 = arith.constant 80 : i32
    %scan3A_31 = arith.addi %scan3A_29, %scan3A_30 : i32
    %scan3A_32 = arith.constant 1 : i32
    scf.for %scan3A_52 = %scan3A_29 to %scan3A_31 step %scan3A_32  : i32 {
      %get3A = arith.index_cast %scan3A_52 : i32 to index
      %get3A_53 = arith.constant 0 : index
      %get3A_54 = tpu.vector_load %arg9[%get3A, %get3A_53] {strides = array<i32>} : memref<80x128xf32, #tpu.memory_space<vmem>>, vector<1x16xf32>,
      %get3A_55 = vector.shape_cast %get3A_54 : vector<1x16xf32> to vector<16xf32>
      %get3A_56 = arith.index_cast %scan3A_52 : i32 to index
      %get3A_57 = arith.constant 0 : index
      %get3A_58 = tpu.vector_load %arg11[%get3A_56, %get3A_57] {strides = array<i32>} : memref<80x128xf32, #tpu.memory_space<vmem>>, vector<1x16xf32>,
      %get3A_59 = vector.shape_cast %get3A_58 : vector<1x16xf32> to vector<16xf32>
      %add3A_60 = arith.addf %get3A_55, %get3A_59 : vector<16xf32>
      %swap3A = arith.index_cast %scan3A_52 : i32 to index
      %swap3A_61 = arith.constant 0 : index
      %swap3A_62 = tpu.vector_load %arg9[%swap3A, %swap3A_61] {strides = array<i32>} : memref<80x128xf32, #tpu.memory_space<vmem>>, vector<1x16xf32>,
      %swap3A_63 = vector.shape_cast %swap3A_62 : vector<1x16xf32> to vector<16xf32>
      %swap3A_64 = vector.shape_cast %add3A_60 : vector<16xf32> to vector<1x16xf32>
      tpu.vector_store %arg9[%swap3A, %swap3A_61], %swap3A_64 {strides = array<i32>} : memref<80x128xf32, #tpu.memory_space<vmem>>, vector<1x16xf32>,
      %get3A_65 = arith.index_cast %scan3A_52 : i32 to index
      %get3A_66 = arith.constant 16 : index
      %get3A_67 = tpu.vector_load %arg9[%get3A_65, %get3A_66] {strides = array<i32>} : memref<80x128xf32, #tpu.memory_space<vmem>>, vector<1x16xf32>,
      %get3A_68 = vector.shape_cast %get3A_67 : vector<1x16xf32> to vector<16xf32>
      %get3A_69 = arith.index_cast %scan3A_52 : i32 to index
      %get3A_70 = arith.constant 16 : index
      %get3A_71 = tpu.vector_load %arg11[%get3A_69, %get3A_70] {strides = array<i32>} : memref<80x128xf32, #tpu.memory_space<vmem>>, vector<1x16xf32>,
      %get3A_72 = vector.shape_cast %get3A_71 : vector<1x16xf32> to vector<16xf32>
      %add3A_73 = arith.addf %get3A_68, %get3A_72 : vector<16xf32>
      %swap3A_74 = arith.index_cast %scan3A_52 : i32 to index
      %swap3A_75 = arith.constant 16 : index
      %swap3A_76 = tpu.vector_load %arg9[%swap3A_74, %swap3A_75] {strides = array<i32>} : memref<80x128xf32, #tpu.memory_space<vmem>>, vector<1x16xf32>,
      %swap3A_77 = vector.shape_cast %swap3A_76 : vector<1x16xf32> to vector<16xf32>
      %swap3A_78 = vector.shape_cast %add3A_73 : vector<16xf32> to vector<1x16xf32>
      tpu.vector_store %arg9[%swap3A_74, %swap3A_75], %swap3A_78 {strides = array<i32>} : memref<80x128xf32, #tpu.memory_space<vmem>>, vector<1x16xf32>,
      %get3A_79 = arith.index_cast %scan3A_52 : i32 to index
      %get3A_80 = arith.constant 32 : index
      %get3A_81 = tpu.vector_load %arg9[%get3A_79, %get3A_80] {strides = array<i32>} : memref<80x128xf32, #tpu.memory_space<vmem>>, vector<1x16xf32>,
      %get3A_82 = vector.shape_cast %get3A_81 : vector<1x16xf32> to vector<16xf32>
      %get3A_83 = arith.index_cast %scan3A_52 : i32 to index
      %get3A_84 = arith.constant 32 : index
      %get3A_85 = tpu.vector_load %arg11[%get3A_83, %get3A_84] {strides = array<i32>} : memref<80x128xf32, #tpu.memory_space<vmem>>, vector<1x16xf32>,
      %get3A_86 = vector.shape_cast %get3A_85 : vector<1x16xf32> to vector<16xf32>
      %add3A_87 = arith.addf %get3A_82, %get3A_86 : vector<16xf32>
      %swap3A_88 = arith.index_cast %scan3A_52 : i32 to index
      %swap3A_89 = arith.constant 32 : index
      %swap3A_90 = tpu.vector_load %arg9[%swap3A_88, %swap3A_89] {strides = array<i32>} : memref<80x128xf32, #tpu.memory_space<vmem>>, vector<1x16xf32>,
      %swap3A_91 = vector.shape_cast %swap3A_90 : vector<1x16xf32> to vector<16xf32>
      %swap3A_92 = vector.shape_cast %add3A_87 : vector<16xf32> to vector<1x16xf32>
      tpu.vector_store %arg9[%swap3A_88, %swap3A_89], %swap3A_92 {strides = array<i32>} : memref<80x128xf32, #tpu.memory_space<vmem>>, vector<1x16xf32>,
      %get3A_93 = arith.index_cast %scan3A_52 : i32 to index
      %get3A_94 = arith.constant 48 : index
      %get3A_95 = tpu.vector_load %arg9[%get3A_93, %get3A_94] {strides = array<i32>} : memref<80x128xf32, #tpu.memory_space<vmem>>, vector<1x16xf32>,
      %get3A_96 = vector.shape_cast %get3A_95 : vector<1x16xf32> to vector<16xf32>
      %get3A_97 = arith.index_cast %scan3A_52 : i32 to index
      %get3A_98 = arith.constant 48 : index
      %get3A_99 = tpu.vector_load %arg11[%get3A_97, %get3A_98] {strides = array<i32>} : memref<80x128xf32, #tpu.memory_space<vmem>>, vector<1x16xf32>,
      %get3A_100 = vector.shape_cast %get3A_99 : vector<1x16xf32> to vector<16xf32>
      %add3A_101 = arith.addf %get3A_96, %get3A_100 : vector<16xf32>
      %swap3A_102 = arith.index_cast %scan3A_52 : i32 to index
      %swap3A_103 = arith.constant 48 : index
      %swap3A_104 = tpu.vector_load %arg9[%swap3A_102, %swap3A_103] {strides = array<i32>} : memref<80x128xf32, #tpu.memory_space<vmem>>, vector<1x16xf32>,
      %swap3A_105 = vector.shape_cast %swap3A_104 : vector<1x16xf32> to vector<16xf32>
      %swap3A_106 = vector.shape_cast %add3A_101 : vector<16xf32> to vector<1x16xf32>
      tpu.vector_store %arg9[%swap3A_102, %swap3A_103], %swap3A_106 {strides = array<i32>} : memref<80x128xf32, #tpu.memory_space<vmem>>, vector<1x16xf32>,
      %get3A_107 = arith.index_cast %scan3A_52 : i32 to index
      %get3A_108 = arith.constant 64 : index
      %get3A_109 = tpu.vector_load %arg9[%get3A_107, %get3A_108] {strides = array<i32>} : memref<80x128xf32, #tpu.memory_space<vmem>>, vector<1x16xf32>,
      %get3A_110 = vector.shape_cast %get3A_109 : vector<1x16xf32> to vector<16xf32>
      %get3A_111 = arith.index_cast %scan3A_52 : i32 to index
      %get3A_112 = arith.constant 64 : index
      %get3A_113 = tpu.vector_load %arg11[%get3A_111, %get3A_112] {strides = array<i32>} : memref<80x128xf32, #tpu.memory_space<vmem>>, vector<1x16xf32>,
      %get3A_114 = vector.shape_cast %get3A_113 : vector<1x16xf32> to vector<16xf32>
      %add3A_115 = arith.addf %get3A_110, %get3A_114 : vector<16xf32>
      %swap3A_116 = arith.index_cast %scan3A_52 : i32 to index
      %swap3A_117 = arith.constant 64 : index
      %swap3A_118 = tpu.vector_load %arg9[%swap3A_116, %swap3A_117] {strides = array<i32>} : memref<80x128xf32, #tpu.memory_space<vmem>>, vector<1x16xf32>,
      %swap3A_119 = vector.shape_cast %swap3A_118 : vector<1x16xf32> to vector<16xf32>
      %swap3A_120 = vector.shape_cast %add3A_115 : vector<16xf32> to vector<1x16xf32>
      tpu.vector_store %arg9[%swap3A_116, %swap3A_117], %swap3A_120 {strides = array<i32>} : memref<80x128xf32, #tpu.memory_space<vmem>>, vector<1x16xf32>,
      %get3A_121 = arith.index_cast %scan3A_52 : i32 to index
      %get3A_122 = arith.constant 80 : index
      %get3A_123 = tpu.vector_load %arg9[%get3A_121, %get3A_122] {strides = array<i32>} : memref<80x128xf32, #tpu.memory_space<vmem>>, vector<1x16xf32>,
      %get3A_124 = vector.shape_cast %get3A_123 : vector<1x16xf32> to vector<16xf32>
      %get3A_125 = arith.index_cast %scan3A_52 : i32 to index
      %get3A_126 = arith.constant 80 : index
      %get3A_127 = tpu.vector_load %arg11[%get3A_125, %get3A_126] {strides = array<i32>} : memref<80x128xf32, #tpu.memory_space<vmem>>, vector<1x16xf32>,
      %get3A_128 = vector.shape_cast %get3A_127 : vector<1x16xf32> to vector<16xf32>
      %add3A_129 = arith.addf %get3A_124, %get3A_128 : vector<16xf32>
      %swap3A_130 = arith.index_cast %scan3A_52 : i32 to index
      %swap3A_131 = arith.constant 80 : index
      %swap3A_132 = tpu.vector_load %arg9[%swap3A_130, %swap3A_131] {strides = array<i32>} : memref<80x128xf32, #tpu.memory_space<vmem>>, vector<1x16xf32>,
      %swap3A_133 = vector.shape_cast %swap3A_132 : vector<1x16xf32> to vector<16xf32>
      %swap3A_134 = vector.shape_cast %add3A_129 : vector<16xf32> to vector<1x16xf32>
      tpu.vector_store %arg9[%swap3A_130, %swap3A_131], %swap3A_134 {strides = array<i32>} : memref<80x128xf32, #tpu.memory_space<vmem>>, vector<1x16xf32>,
      %get3A_135 = arith.index_cast %scan3A_52 : i32 to index
      %get3A_136 = arith.constant 96 : index
      %get3A_137 = tpu.vector_load %arg9[%get3A_135, %get3A_136] {strides = array<i32>} : memref<80x128xf32, #tpu.memory_space<vmem>>, vector<1x16xf32>,
      %get3A_138 = vector.shape_cast %get3A_137 : vector<1x16xf32> to vector<16xf32>
      %get3A_139 = arith.index_cast %scan3A_52 : i32 to index
      %get3A_140 = arith.constant 96 : index
      %get3A_141 = tpu.vector_load %arg11[%get3A_139, %get3A_140] {strides = array<i32>} : memref<80x128xf32, #tpu.memory_space<vmem>>, vector<1x16xf32>,
      %get3A_142 = vector.shape_cast %get3A_141 : vector<1x16xf32> to vector<16xf32>
      %add3A_143 = arith.addf %get3A_138, %get3A_142 : vector<16xf32>
      %swap3A_144 = arith.index_cast %scan3A_52 : i32 to index
      %swap3A_145 = arith.constant 96 : index
      %swap3A_146 = tpu.vector_load %arg9[%swap3A_144, %swap3A_145] {strides = array<i32>} : memref<80x128xf32, #tpu.memory_space<vmem>>, vector<1x16xf32>,
      %swap3A_147 = vector.shape_cast %swap3A_146 : vector<1x16xf32> to vector<16xf32>
      %swap3A_148 = vector.shape_cast %add3A_143 : vector<16xf32> to vector<1x16xf32>
      tpu.vector_store %arg9[%swap3A_144, %swap3A_145], %swap3A_148 {strides = array<i32>} : memref<80x128xf32, #tpu.memory_space<vmem>>, vector<1x16xf32>,
      %get3A_149 = arith.index_cast %scan3A_52 : i32 to index
      %get3A_150 = arith.constant 112 : index
      %get3A_151 = tpu.vector_load %arg9[%get3A_149, %get3A_150] {strides = array<i32>} : memref<80x128xf32, #tpu.memory_space<vmem>>, vector<1x16xf32>,
      %get3A_152 = vector.shape_cast %get3A_151 : vector<1x16xf32> to vector<16xf32>
      %get3A_153 = arith.index_cast %scan3A_52 : i32 to index
      %get3A_154 = arith.constant 112 : index
      %get3A_155 = tpu.vector_load %arg11[%get3A_153, %get3A_154] {strides = array<i32>} : memref<80x128xf32, #tpu.memory_space<vmem>>, vector<1x16xf32>,
      %get3A_156 = vector.shape_cast %get3A_155 : vector<1x16xf32> to vector<16xf32>
      %add3A_157 = arith.addf %get3A_152, %get3A_156 : vector<16xf32>
      %swap3A_158 = arith.index_cast %scan3A_52 : i32 to index
      %swap3A_159 = arith.constant 112 : index
      %swap3A_160 = tpu.vector_load %arg9[%swap3A_158, %swap3A_159] {strides = array<i32>} : memref<80x128xf32, #tpu.memory_space<vmem>>, vector<1x16xf32>,
      %swap3A_161 = vector.shape_cast %swap3A_160 : vector<1x16xf32> to vector<16xf32>
      %swap3A_162 = vector.shape_cast %add3A_157 : vector<16xf32> to vector<1x16xf32>
      tpu.vector_store %arg9[%swap3A_158, %swap3A_159], %swap3A_162 {strides = array<i32>} : memref<80x128xf32, #tpu.memory_space<vmem>>, vector<1x16xf32>,
    }
    %scan3A_33 = arith.constant 80 : i32
    %add3A_34 = arith.constant 9920 : i32
    %add3A_35 = arith.addi %mul3A_2, %add3A_34 : i32
    %dma_start3A_36 = arith.constant 0 : i32
    %dma_start3A_37 = tpu.memref_slice %arg6[%add3A_35, %dma_start3A_36] : memref<320000x128xf32, #tpu.memory_space<hbm>> -> memref<80x128xf32, #tpu.memory_space<hbm>>
    %dma_start3A_38 = arith.constant 0 : i32
    %dma_start3A_39 = tpu.memref_slice %arg6[%add3A_35, %dma_start3A_38] : memref<320000x128xf32, #tpu.memory_space<hbm>> -> memref<80x128xf32, #tpu.memory_space<hbm>>
    tpu.enqueue_dma source(%arg9 : memref<80x128xf32, #tpu.memory_space<vmem>>) target(%dma_start3A_39 : memref<80x128xf32, #tpu.memory_space<hbm>>) target_semaphore(%arg17 : memref<!tpu.dma_semaphore, #tpu.memory_space<semaphore_mem>>)
    %dma_wait3A_40 = arith.constant 0 : i32
    %dma_wait3A_41 = arith.constant 0 : i32
    %dma_wait3A_42 = tpu.memref_slice %arg6[%dma_wait3A_40, %dma_wait3A_41] : memref<320000x128xf32, #tpu.memory_space<hbm>> -> memref<80x128xf32, #tpu.memory_space<hbm>>
    %dma_wait3A_43 = arith.constant 0 : i32
    %dma_wait3A_44 = arith.constant 0 : i32
    %dma_wait3A_45 = tpu.memref_slice %arg6[%dma_wait3A_43, %dma_wait3A_44] : memref<320000x128xf32, #tpu.memory_space<hbm>> -> memref<80x128xf32, #tpu.memory_space<hbm>>
    tpu.wait_dma2 semaphore(%arg17 : memref<!tpu.dma_semaphore, #tpu.memory_space<semaphore_mem>>) src(%arg9 : memref<80x128xf32, #tpu.memory_space<vmem>>) dst(%dma_wait3A_45 : memref<80x128xf32, #tpu.memory_space<hbm>>)
    %dma_wait3A_46 = arith.constant 0 : i32
    %dma_wait3A_47 = arith.constant 0 : i32
    %dma_wait3A_48 = tpu.memref_slice %arg6[%dma_wait3A_46, %dma_wait3A_47] : memref<320000x128xf32, #tpu.memory_space<hbm>> -> memref<80x128xf32, #tpu.memory_space<hbm>>
    %dma_wait3A_49 = arith.constant 0 : i32
    %dma_wait3A_50 = arith.constant 0 : i32
    %dma_wait3A_51 = tpu.memref_slice %arg6[%dma_wait3A_49, %dma_wait3A_50] : memref<320000x128xf32, #tpu.memory_space<hbm>> -> memref<80x128xf32, #tpu.memory_space<hbm>>
    tpu.wait_dma2 semaphore(%arg18 : memref<!tpu.dma_semaphore, #tpu.memory_space<semaphore_mem>>) src(%arg10 : memref<80x128xf32, #tpu.memory_space<vmem>>) dst(%dma_wait3A_51 : memref<80x128xf32, #tpu.memory_space<hbm>>)
    return
  }
}

module attributes {stable_mosaic.version = 14 : i64} {
  func.func @_pre_body(%arg0: i32, %arg1: memref<1000x128xf32, #tpu.memory_space<vmem>>, %arg2: memref<128x128xf32, #tpu.memory_space<vmem>>, %arg3: memref<128x128xf32, #tpu.memory_space<vmem>>, %arg4: memref<1000x128xf32, #tpu.memory_space<vmem>>, %arg5: memref<1000x128xf32, #tpu.memory_space<vmem>>) attributes {dimension_semantics = [#tpu.dimension_semantics<arbitrary>], iteration_bounds = array<i64: 10>, scalar_prefetch = 0 : i64, scratch_operands = 0 : i64, tpu.core_type = #tpu.core_type<tc>, window_params = [{transform_indices = @transform_0, window_bounds = array<i64: 1000, 128>}, {pipeline_mode = #tpu.pipeline_mode<synchronous>, transform_indices = @transform_1, window_bounds = array<i64: 128, 128>}, {pipeline_mode = #tpu.pipeline_mode<synchronous>, transform_indices = @transform_2, window_bounds = array<i64: 128, 128>}, {transform_indices = @transform_3, window_bounds = array<i64: 1000, 128>}, {transform_indices = @transform_4, window_bounds = array<i64: 1000, 128>}]} {
    %get3A = arith.constant 0 : index
    %get3A_0 = arith.constant 0 : index
    %get3A_1 = vector.load %arg1[%get3A, %get3A_0] : memref<1000x128xf32, #tpu.memory_space<vmem>>, vector<1000x128xf32>
    %get3A_2 = arith.constant 0 : index
    %get3A_3 = arith.constant 0 : index
    %get3A_4 = vector.load %arg2[%get3A_2, %get3A_3] : memref<128x128xf32, #tpu.memory_space<vmem>>, vector<128x128xf32>
    %dot_general3A = arith.constant dense<0.000000e+00> : vector<1000x128xf32>
    %dot_general3A_5 = tpu.matmul %get3A_1, %get3A_4, %dot_general3A {dimension_numbers = #tpu.dot_dimension_numbers<[1], [0], [0], [1], [0, 0, 1, 1], [], []>, transpose_lhs_hint = false} : vector<1000x128xf32>, vector<128x128xf32>, vector<1000x128xf32> -> vector<1000x128xf32>
    %swap3A = arith.constant 0 : index
    %swap3A_6 = arith.constant 0 : index
    %swap3A_7 = vector.load %arg4[%swap3A, %swap3A_6] : memref<1000x128xf32, #tpu.memory_space<vmem>>, vector<1000x128xf32>
    tpu.vector_store %arg4[%swap3A, %swap3A_6], %dot_general3A_5 {strides = array<i32>} : memref<1000x128xf32, #tpu.memory_space<vmem>>, vector<1000x128xf32>,
    %get3A_8 = arith.constant 0 : index
    %get3A_9 = arith.constant 0 : index
    %get3A_10 = vector.load %arg3[%get3A_8, %get3A_9] : memref<128x128xf32, #tpu.memory_space<vmem>>, vector<128x128xf32>
    %dot_general3A_11 = arith.constant dense<0.000000e+00> : vector<1000x128xf32>
    %dot_general3A_12 = tpu.matmul %get3A_1, %get3A_10, %dot_general3A_11 {dimension_numbers = #tpu.dot_dimension_numbers<[1], [0], [0], [1], [0, 0, 1, 1], [], []>, transpose_lhs_hint = false} : vector<1000x128xf32>, vector<128x128xf32>, vector<1000x128xf32> -> vector<1000x128xf32>
    %swap3A_13 = arith.constant 0 : index
    %swap3A_14 = arith.constant 0 : index
    %swap3A_15 = vector.load %arg5[%swap3A_13, %swap3A_14] : memref<1000x128xf32, #tpu.memory_space<vmem>>, vector<1000x128xf32>
    tpu.vector_store %arg5[%swap3A_13, %swap3A_14], %dot_general3A_12 {strides = array<i32>} : memref<1000x128xf32, #tpu.memory_space<vmem>>, vector<1000x128xf32>,
    return
  }
  func.func @transform_0(%arg0: i32) -> (i32, i32) {
    %c0_i32 = arith.constant 0 : i32
    %c0_i32_0 = arith.constant 0 : i32
    return %arg0, %c0_i32 : i32, i32
  }
  func.func @transform_1(%arg0: i32) -> (i32, i32) {
    %c0_i32 = arith.constant 0 : i32
    %c0_i32_0 = arith.constant 0 : i32
    %c0_i32_1 = arith.constant 0 : i32
    return %c0_i32, %c0_i32_0 : i32, i32
  }
  func.func @transform_2(%arg0: i32) -> (i32, i32) {
    %c0_i32 = arith.constant 0 : i32
    %c0_i32_0 = arith.constant 0 : i32
    %c0_i32_1 = arith.constant 0 : i32
    return %c0_i32, %c0_i32_0 : i32, i32
  }
  func.func @transform_3(%arg0: i32) -> (i32, i32) {
    %c0_i32 = arith.constant 0 : i32
    %c0_i32_0 = arith.constant 0 : i32
    return %arg0, %c0_i32 : i32, i32
  }
  func.func @transform_4(%arg0: i32) -> (i32, i32) {
    %c0_i32 = arith.constant 0 : i32
    %c0_i32_0 = arith.constant 0 : i32
    return %arg0, %c0_i32 : i32, i32
  }
}

module attributes {stable_mosaic.version = 14 : i64} {
  func.func @_edge_body(%arg0: i32, %arg1: memref<4000x128xf32, #tpu.memory_space<vmem>>, %arg2: memref<4000x16xf32, #tpu.memory_space<vmem>>, %arg3: memref<1x16xf32, #tpu.memory_space<vmem>>, %arg4: memref<32x128xf32, #tpu.memory_space<vmem>>, %arg5: memref<1x128xf32, #tpu.memory_space<vmem>>, %arg6: memref<1x128xf32, #tpu.memory_space<vmem>>, %arg7: memref<1x128xf32, #tpu.memory_space<vmem>>, %arg8: memref<128x128xf32, #tpu.memory_space<vmem>>, %arg9: memref<1x128xf32, #tpu.memory_space<vmem>>, %arg10: memref<1x128xf32, #tpu.memory_space<vmem>>, %arg11: memref<1x128xf32, #tpu.memory_space<vmem>>, %arg12: memref<128x128xf32, #tpu.memory_space<vmem>>, %arg13: memref<1x128xf32, #tpu.memory_space<vmem>>, %arg14: memref<4000x128xf32, #tpu.memory_space<vmem>>, %arg15: memref<1x128xf32, #tpu.memory_space<vmem>>) attributes {dimension_semantics = [#tpu.dimension_semantics<arbitrary>], iteration_bounds = array<i64: 80>, scalar_prefetch = 0 : i64, scratch_operands = 0 : i64, tpu.core_type = #tpu.core_type<tc>, window_params = [{transform_indices = @transform_0, window_bounds = array<i64: 4000, 128>}, {transform_indices = @transform_1, window_bounds = array<i64: 4000, 16>}, {pipeline_mode = #tpu.pipeline_mode<synchronous>, transform_indices = @transform_2, window_bounds = array<i64: 1, 16>}, {pipeline_mode = #tpu.pipeline_mode<synchronous>, transform_indices = @transform_3, window_bounds = array<i64: 32, 128>}, {pipeline_mode = #tpu.pipeline_mode<synchronous>, transform_indices = @transform_4, window_bounds = array<i64: 1, 128>}, {pipeline_mode = #tpu.pipeline_mode<synchronous>, transform_indices = @transform_5, window_bounds = array<i64: 1, 128>}, {pipeline_mode = #tpu.pipeline_mode<synchronous>, transform_indices = @transform_6, window_bounds = array<i64: 1, 128>}, {pipeline_mode = #tpu.pipeline_mode<synchronous>, transform_indices = @transform_7, window_bounds = array<i64: 128, 128>}, {pipeline_mode = #tpu.pipeline_mode<synchronous>, transform_indices = @transform_8, window_bounds = array<i64: 1, 128>}, {pipeline_mode = #tpu.pipeline_mode<synchronous>, transform_indices = @transform_9, window_bounds = array<i64: 1, 128>}, {pipeline_mode = #tpu.pipeline_mode<synchronous>, transform_indices = @transform_10, window_bounds = array<i64: 1, 128>}, {pipeline_mode = #tpu.pipeline_mode<synchronous>, transform_indices = @transform_11, window_bounds = array<i64: 128, 128>}, {pipeline_mode = #tpu.pipeline_mode<synchronous>, transform_indices = @transform_12, window_bounds = array<i64: 1, 128>}, {transform_indices = @transform_13, window_bounds = array<i64: 4000, 128>}, {pipeline_mode = #tpu.pipeline_mode<synchronous>, transform_indices = @transform_14, window_bounds = array<i64: 1, 128>}]} {
    %get3A = arith.constant 0 : index
    %get3A_0 = arith.constant 0 : index
    %get3A_1 = vector.load %arg3[%get3A, %get3A_0] : memref<1x16xf32, #tpu.memory_space<vmem>>, vector<1x16xf32>
    %broadcast_in_dim3A = vector.shape_cast %get3A_1 : vector<1x16xf32> to vector<1x16xf32>
    %broadcast_in_dim3A_2 = vector.broadcast %broadcast_in_dim3A : vector<1x16xf32> to vector<4000x16xf32>
    %get3A_3 = arith.constant 0 : index
    %get3A_4 = arith.constant 0 : index
    %get3A_5 = vector.load %arg2[%get3A_3, %get3A_4] : memref<4000x16xf32, #tpu.memory_space<vmem>>, vector<4000x16xf32>
    %concatenate3A = tpu.concatenate %get3A_5, %broadcast_in_dim3A_2 in 1 : vector<4000x16xf32>, vector<4000x16xf32> -> vector<4000x32xf32>
    %get3A_6 = arith.constant 0 : index
    %get3A_7 = arith.constant 0 : index
    %get3A_8 = vector.load %arg1[%get3A_6, %get3A_7] : memref<4000x128xf32, #tpu.memory_space<vmem>>, vector<4000x128xf32>
    %get3A_9 = arith.constant 0 : index
    %get3A_10 = arith.constant 0 : index
    %get3A_11 = vector.load %arg4[%get3A_9, %get3A_10] : memref<32x128xf32, #tpu.memory_space<vmem>>, vector<32x128xf32>
    %dot_general3A = arith.constant dense<0.000000e+00> : vector<4000x128xf32>
    %dot_general3A_12 = tpu.matmul %concatenate3A, %get3A_11, %dot_general3A {dimension_numbers = #tpu.dot_dimension_numbers<[1], [0], [0], [1], [0, 0, 1, 1], [], []>, transpose_lhs_hint = false} : vector<4000x32xf32>, vector<32x128xf32>, vector<4000x128xf32> -> vector<4000x128xf32>
    %add3A = arith.addf %get3A_8, %dot_general3A_12 : vector<4000x128xf32>
    %get3A_13 = arith.constant 0 : index
    %get3A_14 = arith.constant 0 : index
    %get3A_15 = vector.load %arg5[%get3A_13, %get3A_14] : memref<1x128xf32, #tpu.memory_space<vmem>>, vector<1x128xf32>
    %add3A_16 = vector.broadcast %get3A_15 : vector<1x128xf32> to vector<4000x128xf32>
    %add3A_17 = arith.addf %add3A, %add3A_16 : vector<4000x128xf32>
    %max3A = arith.constant 0.000000e+00 : f32
    %max3A_18 = vector.broadcast %max3A : f32 to vector<4000x128xf32>
    %max3A_19 = arith.maximumf %add3A_17, %max3A_18 : vector<4000x128xf32>
    %get3A_20 = arith.constant 0 : index
    %get3A_21 = arith.constant 0 : index
    %get3A_22 = vector.load %arg6[%get3A_20, %get3A_21] : memref<1x128xf32, #tpu.memory_space<vmem>>, vector<1x128xf32>
    %get3A_23 = arith.constant 0 : index
    %get3A_24 = arith.constant 0 : index
    %get3A_25 = vector.load %arg7[%get3A_23, %get3A_24] : memref<1x128xf32, #tpu.memory_space<vmem>>, vector<1x128xf32>
    %reduce_sum3A = arith.constant dense<0.000000e+00> : vector<4000xf32>
    %reduce_sum3A_26 = vector.multi_reduction <add>, %max3A_19, %reduce_sum3A [1] : vector<4000x128xf32> to vector<4000xf32>
    %broadcast_in_dim3A_27 = vector.shape_cast %reduce_sum3A_26 : vector<4000xf32> to vector<4000x1xf32>
    %div3A = arith.constant 1.280000e+02 : f32
    %div3A_28 = vector.broadcast %div3A : f32 to vector<4000x1xf32>
    %div3A_29 = arith.divf %broadcast_in_dim3A_27, %div3A_28 : vector<4000x1xf32>
    %sub3A = vector.broadcast %div3A_29 : vector<4000x1xf32> to vector<4000x128xf32>
    %sub3A_30 = arith.subf %max3A_19, %sub3A : vector<4000x128xf32>
    %mul3A = arith.mulf %sub3A_30, %sub3A_30 : vector<4000x128xf32>
    %reduce_sum3A_31 = arith.constant dense<0.000000e+00> : vector<4000xf32>
    %reduce_sum3A_32 = vector.multi_reduction <add>, %mul3A, %reduce_sum3A_31 [1] : vector<4000x128xf32> to vector<4000xf32>
    %broadcast_in_dim3A_33 = vector.shape_cast %reduce_sum3A_32 : vector<4000xf32> to vector<4000x1xf32>
    %div3A_34 = arith.constant 1.280000e+02 : f32
    %div3A_35 = vector.broadcast %div3A_34 : f32 to vector<4000x1xf32>
    %div3A_36 = arith.divf %broadcast_in_dim3A_33, %div3A_35 : vector<4000x1xf32>
    %add3A_37 = arith.constant 9.99999974E-6 : f32
    %add3A_38 = vector.broadcast %add3A_37 : f32 to vector<4000x1xf32>
    %add3A_39 = arith.addf %div3A_36, %add3A_38 : vector<4000x1xf32>
    %sqrt3A = math.sqrt %add3A_39 : vector<4000x1xf32>
    %div3A_40 = vector.broadcast %sqrt3A : vector<4000x1xf32> to vector<4000x128xf32>
    %div3A_41 = arith.divf %sub3A_30, %div3A_40 : vector<4000x128xf32>
    %mul3A_42 = vector.broadcast %get3A_22 : vector<1x128xf32> to vector<4000x128xf32>
    %mul3A_43 = arith.mulf %div3A_41, %mul3A_42 : vector<4000x128xf32>
    %add3A_44 = vector.broadcast %get3A_25 : vector<1x128xf32> to vector<4000x128xf32>
    %add3A_45 = arith.addf %mul3A_43, %add3A_44 : vector<4000x128xf32>
    %get3A_46 = arith.constant 0 : index
    %get3A_47 = arith.constant 0 : index
    %get3A_48 = vector.load %arg8[%get3A_46, %get3A_47] : memref<128x128xf32, #tpu.memory_space<vmem>>, vector<128x128xf32>
    %dot_general3A_49 = arith.constant dense<0.000000e+00> : vector<4000x128xf32>
    %dot_general3A_50 = tpu.matmul %add3A_45, %get3A_48, %dot_general3A_49 {dimension_numbers = #tpu.dot_dimension_numbers<[1], [0], [0], [1], [0, 0, 1, 1], [], []>, transpose_lhs_hint = false} : vector<4000x128xf32>, vector<128x128xf32>, vector<4000x128xf32> -> vector<4000x128xf32>
    %get3A_51 = arith.constant 0 : index
    %get3A_52 = arith.constant 0 : index
    %get3A_53 = vector.load %arg9[%get3A_51, %get3A_52] : memref<1x128xf32, #tpu.memory_space<vmem>>, vector<1x128xf32>
    %add3A_54 = vector.broadcast %get3A_53 : vector<1x128xf32> to vector<4000x128xf32>
    %add3A_55 = arith.addf %dot_general3A_50, %add3A_54 : vector<4000x128xf32>
    %max3A_56 = arith.constant 0.000000e+00 : f32
    %max3A_57 = vector.broadcast %max3A_56 : f32 to vector<4000x128xf32>
    %max3A_58 = arith.maximumf %add3A_55, %max3A_57 : vector<4000x128xf32>
    %get3A_59 = arith.constant 0 : index
    %get3A_60 = arith.constant 0 : index
    %get3A_61 = vector.load %arg10[%get3A_59, %get3A_60] : memref<1x128xf32, #tpu.memory_space<vmem>>, vector<1x128xf32>
    %get3A_62 = arith.constant 0 : index
    %get3A_63 = arith.constant 0 : index
    %get3A_64 = vector.load %arg11[%get3A_62, %get3A_63] : memref<1x128xf32, #tpu.memory_space<vmem>>, vector<1x128xf32>
    %reduce_sum3A_65 = arith.constant dense<0.000000e+00> : vector<4000xf32>
    %reduce_sum3A_66 = vector.multi_reduction <add>, %max3A_58, %reduce_sum3A_65 [1] : vector<4000x128xf32> to vector<4000xf32>
    %broadcast_in_dim3A_67 = vector.shape_cast %reduce_sum3A_66 : vector<4000xf32> to vector<4000x1xf32>
    %div3A_68 = arith.constant 1.280000e+02 : f32
    %div3A_69 = vector.broadcast %div3A_68 : f32 to vector<4000x1xf32>
    %div3A_70 = arith.divf %broadcast_in_dim3A_67, %div3A_69 : vector<4000x1xf32>
    %sub3A_71 = vector.broadcast %div3A_70 : vector<4000x1xf32> to vector<4000x128xf32>
    %sub3A_72 = arith.subf %max3A_58, %sub3A_71 : vector<4000x128xf32>
    %mul3A_73 = arith.mulf %sub3A_72, %sub3A_72 : vector<4000x128xf32>
    %reduce_sum3A_74 = arith.constant dense<0.000000e+00> : vector<4000xf32>
    %reduce_sum3A_75 = vector.multi_reduction <add>, %mul3A_73, %reduce_sum3A_74 [1] : vector<4000x128xf32> to vector<4000xf32>
    %broadcast_in_dim3A_76 = vector.shape_cast %reduce_sum3A_75 : vector<4000xf32> to vector<4000x1xf32>
    %div3A_77 = arith.constant 1.280000e+02 : f32
    %div3A_78 = vector.broadcast %div3A_77 : f32 to vector<4000x1xf32>
    %div3A_79 = arith.divf %broadcast_in_dim3A_76, %div3A_78 : vector<4000x1xf32>
    %add3A_80 = arith.constant 9.99999974E-6 : f32
    %add3A_81 = vector.broadcast %add3A_80 : f32 to vector<4000x1xf32>
    %add3A_82 = arith.addf %div3A_79, %add3A_81 : vector<4000x1xf32>
    %sqrt3A_83 = math.sqrt %add3A_82 : vector<4000x1xf32>
    %div3A_84 = vector.broadcast %sqrt3A_83 : vector<4000x1xf32> to vector<4000x128xf32>
    %div3A_85 = arith.divf %sub3A_72, %div3A_84 : vector<4000x128xf32>
    %mul3A_86 = vector.broadcast %get3A_61 : vector<1x128xf32> to vector<4000x128xf32>
    %mul3A_87 = arith.mulf %div3A_85, %mul3A_86 : vector<4000x128xf32>
    %add3A_88 = vector.broadcast %get3A_64 : vector<1x128xf32> to vector<4000x128xf32>
    %add3A_89 = arith.addf %mul3A_87, %add3A_88 : vector<4000x128xf32>
    %get3A_90 = arith.constant 0 : index
    %get3A_91 = arith.constant 0 : index
    %get3A_92 = vector.load %arg12[%get3A_90, %get3A_91] : memref<128x128xf32, #tpu.memory_space<vmem>>, vector<128x128xf32>
    %dot_general3A_93 = arith.constant dense<0.000000e+00> : vector<4000x128xf32>
    %dot_general3A_94 = tpu.matmul %add3A_89, %get3A_92, %dot_general3A_93 {dimension_numbers = #tpu.dot_dimension_numbers<[1], [0], [0], [1], [0, 0, 1, 1], [], []>, transpose_lhs_hint = false} : vector<4000x128xf32>, vector<128x128xf32>, vector<4000x128xf32> -> vector<4000x128xf32>
    %get3A_95 = arith.constant 0 : index
    %get3A_96 = arith.constant 0 : index
    %get3A_97 = vector.load %arg13[%get3A_95, %get3A_96] : memref<1x128xf32, #tpu.memory_space<vmem>>, vector<1x128xf32>
    %add3A_98 = vector.broadcast %get3A_97 : vector<1x128xf32> to vector<4000x128xf32>
    %add3A_99 = arith.addf %dot_general3A_94, %add3A_98 : vector<4000x128xf32>
    %swap3A = arith.constant 0 : index
    %swap3A_100 = arith.constant 0 : index
    %swap3A_101 = vector.load %arg14[%swap3A, %swap3A_100] : memref<4000x128xf32, #tpu.memory_space<vmem>>, vector<4000x128xf32>
    tpu.vector_store %arg14[%swap3A, %swap3A_100], %add3A_99 {strides = array<i32>} : memref<4000x128xf32, #tpu.memory_space<vmem>>, vector<4000x128xf32>,
    %eq3A = arith.constant 0 : i32
    %eq3A_102 = arith.cmpi eq, %arg0, %eq3A : i32
    %convert_element_type3A = arith.extui %eq3A_102 : i1 to i32
    %cond3A = arith.constant 0 : i32
    %cond3A_103 = arith.cmpi ne, %convert_element_type3A, %cond3A : i32
    scf.if %cond3A_103 {
      %broadcast_in_dim3A_114 = arith.constant 0.000000e+00 : f32
      %broadcast_in_dim3A_115 = vector.broadcast %broadcast_in_dim3A_114 : f32 to vector<1x128xf32>
      %swap3A_116 = arith.constant 0 : index
      %swap3A_117 = arith.constant 0 : index
      %swap3A_118 = vector.load %arg15[%swap3A_116, %swap3A_117] : memref<1x128xf32, #tpu.memory_space<vmem>>, vector<1x128xf32>
      tpu.vector_store %arg15[%swap3A_116, %swap3A_117], %broadcast_in_dim3A_115 {strides = array<i32>} : memref<1x128xf32, #tpu.memory_space<vmem>>, vector<1x128xf32>,
    } else {
    }
    %get3A_104 = arith.constant 0 : index
    %get3A_105 = arith.constant 0 : index
    %get3A_106 = vector.load %arg15[%get3A_104, %get3A_105] : memref<1x128xf32, #tpu.memory_space<vmem>>, vector<1x128xf32>
    %reduce_sum3A_107 = arith.constant dense<0.000000e+00> : vector<128xf32>
    %reduce_sum3A_108 = vector.multi_reduction <add>, %add3A_99, %reduce_sum3A_107 [0] : vector<4000x128xf32> to vector<128xf32>
    %broadcast_in_dim3A_109 = vector.shape_cast %reduce_sum3A_108 : vector<128xf32> to vector<1x128xf32>
    %add3A_110 = arith.addf %get3A_106, %broadcast_in_dim3A_109 : vector<1x128xf32>
    %swap3A_111 = arith.constant 0 : index
    %swap3A_112 = arith.constant 0 : index
    %swap3A_113 = vector.load %arg15[%swap3A_111, %swap3A_112] : memref<1x128xf32, #tpu.memory_space<vmem>>, vector<1x128xf32>
    tpu.vector_store %arg15[%swap3A_111, %swap3A_112], %add3A_110 {strides = array<i32>} : memref<1x128xf32, #tpu.memory_space<vmem>>, vector<1x128xf32>,
    return
  }
  func.func @transform_0(%arg0: i32) -> (i32, i32) {
    %c0_i32 = arith.constant 0 : i32
    %c0_i32_0 = arith.constant 0 : i32
    return %arg0, %c0_i32 : i32, i32
  }
  func.func @transform_1(%arg0: i32) -> (i32, i32) {
    %c0_i32 = arith.constant 0 : i32
    %c0_i32_0 = arith.constant 0 : i32
    return %arg0, %c0_i32 : i32, i32
  }
  func.func @transform_2(%arg0: i32) -> (i32, i32) {
    %c0_i32 = arith.constant 0 : i32
    %c0_i32_0 = arith.constant 0 : i32
    %c0_i32_1 = arith.constant 0 : i32
    return %c0_i32, %c0_i32_0 : i32, i32
  }
  func.func @transform_3(%arg0: i32) -> (i32, i32) {
    %c0_i32 = arith.constant 0 : i32
    %c0_i32_0 = arith.constant 0 : i32
    %c0_i32_1 = arith.constant 0 : i32
    return %c0_i32, %c0_i32_0 : i32, i32
  }
  func.func @transform_4(%arg0: i32) -> (i32, i32) {
    %c0_i32 = arith.constant 0 : i32
    %c0_i32_0 = arith.constant 0 : i32
    %c0_i32_1 = arith.constant 0 : i32
    return %c0_i32, %c0_i32_0 : i32, i32
  }
  func.func @transform_5(%arg0: i32) -> (i32, i32) {
    %c0_i32 = arith.constant 0 : i32
    %c0_i32_0 = arith.constant 0 : i32
    %c0_i32_1 = arith.constant 0 : i32
    return %c0_i32, %c0_i32_0 : i32, i32
  }
  func.func @transform_6(%arg0: i32) -> (i32, i32) {
    %c0_i32 = arith.constant 0 : i32
    %c0_i32_0 = arith.constant 0 : i32
    %c0_i32_1 = arith.constant 0 : i32
    return %c0_i32, %c0_i32_0 : i32, i32
  }
  func.func @transform_7(%arg0: i32) -> (i32, i32) {
    %c0_i32 = arith.constant 0 : i32
    %c0_i32_0 = arith.constant 0 : i32
    %c0_i32_1 = arith.constant 0 : i32
    return %c0_i32, %c0_i32_0 : i32, i32
  }
  func.func @transform_8(%arg0: i32) -> (i32, i32) {
    %c0_i32 = arith.constant 0 : i32
    %c0_i32_0 = arith.constant 0 : i32
    %c0_i32_1 = arith.constant 0 : i32
    return %c0_i32, %c0_i32_0 : i32, i32
  }
  func.func @transform_9(%arg0: i32) -> (i32, i32) {
    %c0_i32 = arith.constant 0 : i32
    %c0_i32_0 = arith.constant 0 : i32
    %c0_i32_1 = arith.constant 0 : i32
    return %c0_i32, %c0_i32_0 : i32, i32
  }
  func.func @transform_10(%arg0: i32) -> (i32, i32) {
    %c0_i32 = arith.constant 0 : i32
    %c0_i32_0 = arith.constant 0 : i32
    %c0_i32_1 = arith.constant 0 : i32
    return %c0_i32, %c0_i32_0 : i32, i32
  }
  func.func @transform_11(%arg0: i32) -> (i32, i32) {
    %c0_i32 = arith.constant 0 : i32
    %c0_i32_0 = arith.constant 0 : i32
    %c0_i32_1 = arith.constant 0 : i32
    return %c0_i32, %c0_i32_0 : i32, i32
  }
  func.func @transform_12(%arg0: i32) -> (i32, i32) {
    %c0_i32 = arith.constant 0 : i32
    %c0_i32_0 = arith.constant 0 : i32
    %c0_i32_1 = arith.constant 0 : i32
    return %c0_i32, %c0_i32_0 : i32, i32
  }
  func.func @transform_13(%arg0: i32) -> (i32, i32) {
    %c0_i32 = arith.constant 0 : i32
    %c0_i32_0 = arith.constant 0 : i32
    return %arg0, %c0_i32 : i32, i32
  }
  func.func @transform_14(%arg0: i32) -> (i32, i32) {
    %c0_i32 = arith.constant 0 : i32
    %c0_i32_0 = arith.constant 0 : i32
    %c0_i32_1 = arith.constant 0 : i32
    return %c0_i32, %c0_i32_0 : i32, i32
  }
}

module attributes {stable_mosaic.version = 14 : i64} {
  func.func @_node_body(%arg0: i32, %arg1: memref<1000x128xf32, #tpu.memory_space<vmem>>, %arg2: memref<1000x128xf32, #tpu.memory_space<vmem>>, %arg3: memref<1000x128xf32, #tpu.memory_space<vmem>>, %arg4: memref<1x16xf32, #tpu.memory_space<vmem>>, %arg5: memref<128x128xf32, #tpu.memory_space<vmem>>, %arg6: memref<128x128xf32, #tpu.memory_space<vmem>>, %arg7: memref<16x128xf32, #tpu.memory_space<vmem>>, %arg8: memref<1x128xf32, #tpu.memory_space<vmem>>, %arg9: memref<1x128xf32, #tpu.memory_space<vmem>>, %arg10: memref<1x128xf32, #tpu.memory_space<vmem>>, %arg11: memref<128x128xf32, #tpu.memory_space<vmem>>, %arg12: memref<1x128xf32, #tpu.memory_space<vmem>>, %arg13: memref<1x128xf32, #tpu.memory_space<vmem>>, %arg14: memref<1x128xf32, #tpu.memory_space<vmem>>, %arg15: memref<128x128xf32, #tpu.memory_space<vmem>>, %arg16: memref<1x128xf32, #tpu.memory_space<vmem>>, %arg17: memref<1000x128xf32, #tpu.memory_space<vmem>>, %arg18: memref<1x128xf32, #tpu.memory_space<vmem>>) attributes {dimension_semantics = [#tpu.dimension_semantics<arbitrary>], iteration_bounds = array<i64: 10>, scalar_prefetch = 0 : i64, scratch_operands = 0 : i64, tpu.core_type = #tpu.core_type<tc>, window_params = [{transform_indices = @transform_0, window_bounds = array<i64: 1000, 128>}, {transform_indices = @transform_1, window_bounds = array<i64: 1000, 128>}, {transform_indices = @transform_2, window_bounds = array<i64: 1000, 128>}, {pipeline_mode = #tpu.pipeline_mode<synchronous>, transform_indices = @transform_3, window_bounds = array<i64: 1, 16>}, {pipeline_mode = #tpu.pipeline_mode<synchronous>, transform_indices = @transform_4, window_bounds = array<i64: 128, 128>}, {pipeline_mode = #tpu.pipeline_mode<synchronous>, transform_indices = @transform_5, window_bounds = array<i64: 128, 128>}, {pipeline_mode = #tpu.pipeline_mode<synchronous>, transform_indices = @transform_6, window_bounds = array<i64: 16, 128>}, {pipeline_mode = #tpu.pipeline_mode<synchronous>, transform_indices = @transform_7, window_bounds = array<i64: 1, 128>}, {pipeline_mode = #tpu.pipeline_mode<synchronous>, transform_indices = @transform_8, window_bounds = array<i64: 1, 128>}, {pipeline_mode = #tpu.pipeline_mode<synchronous>, transform_indices = @transform_9, window_bounds = array<i64: 1, 128>}, {pipeline_mode = #tpu.pipeline_mode<synchronous>, transform_indices = @transform_10, window_bounds = array<i64: 128, 128>}, {pipeline_mode = #tpu.pipeline_mode<synchronous>, transform_indices = @transform_11, window_bounds = array<i64: 1, 128>}, {pipeline_mode = #tpu.pipeline_mode<synchronous>, transform_indices = @transform_12, window_bounds = array<i64: 1, 128>}, {pipeline_mode = #tpu.pipeline_mode<synchronous>, transform_indices = @transform_13, window_bounds = array<i64: 1, 128>}, {pipeline_mode = #tpu.pipeline_mode<synchronous>, transform_indices = @transform_14, window_bounds = array<i64: 128, 128>}, {pipeline_mode = #tpu.pipeline_mode<synchronous>, transform_indices = @transform_15, window_bounds = array<i64: 1, 128>}, {transform_indices = @transform_16, window_bounds = array<i64: 1000, 128>}, {pipeline_mode = #tpu.pipeline_mode<synchronous>, transform_indices = @transform_17, window_bounds = array<i64: 1, 128>}]} {
    %get3A = arith.constant 0 : index
    %get3A_0 = arith.constant 0 : index
    %get3A_1 = vector.load %arg2[%get3A, %get3A_0] : memref<1000x128xf32, #tpu.memory_space<vmem>>, vector<1000x128xf32>
    %get3A_2 = arith.constant 0 : index
    %get3A_3 = arith.constant 0 : index
    %get3A_4 = vector.load %arg3[%get3A_2, %get3A_3] : memref<1000x128xf32, #tpu.memory_space<vmem>>, vector<1000x128xf32>
    %add3A = arith.addf %get3A_1, %get3A_4 : vector<1000x128xf32>
    %get3A_5 = arith.constant 0 : index
    %get3A_6 = arith.constant 0 : index
    %get3A_7 = vector.load %arg4[%get3A_5, %get3A_6] : memref<1x16xf32, #tpu.memory_space<vmem>>, vector<1x16xf32>
    %broadcast_in_dim3A = vector.shape_cast %get3A_7 : vector<1x16xf32> to vector<1x16xf32>
    %broadcast_in_dim3A_8 = vector.broadcast %broadcast_in_dim3A : vector<1x16xf32> to vector<1000x16xf32>
    %get3A_9 = arith.constant 0 : index
    %get3A_10 = arith.constant 0 : index
    %get3A_11 = vector.load %arg1[%get3A_9, %get3A_10] : memref<1000x128xf32, #tpu.memory_space<vmem>>, vector<1000x128xf32>
    %concatenate3A = tpu.concatenate %get3A_11, %add3A, %broadcast_in_dim3A_8 in 1 : vector<1000x128xf32>, vector<1000x128xf32>, vector<1000x16xf32> -> vector<1000x272xf32>
    %get3A_12 = arith.constant 0 : index
    %get3A_13 = arith.constant 0 : index
    %get3A_14 = vector.load %arg5[%get3A_12, %get3A_13] : memref<128x128xf32, #tpu.memory_space<vmem>>, vector<128x128xf32>
    %get3A_15 = arith.constant 0 : index
    %get3A_16 = arith.constant 0 : index
    %get3A_17 = vector.load %arg6[%get3A_15, %get3A_16] : memref<128x128xf32, #tpu.memory_space<vmem>>, vector<128x128xf32>
    %get3A_18 = arith.constant 0 : index
    %get3A_19 = arith.constant 0 : index
    %get3A_20 = vector.load %arg7[%get3A_18, %get3A_19] : memref<16x128xf32, #tpu.memory_space<vmem>>, vector<16x128xf32>
    %concatenate3A_21 = tpu.concatenate %get3A_14, %get3A_17, %get3A_20 in 0 : vector<128x128xf32>, vector<128x128xf32>, vector<16x128xf32> -> vector<272x128xf32>
    %dot_general3A = arith.constant dense<0.000000e+00> : vector<1000x128xf32>
    %dot_general3A_22 = tpu.matmul %concatenate3A, %concatenate3A_21, %dot_general3A {dimension_numbers = #tpu.dot_dimension_numbers<[1], [0], [0], [1], [0, 0, 1, 1], [], []>, transpose_lhs_hint = false} : vector<1000x272xf32>, vector<272x128xf32>, vector<1000x128xf32> -> vector<1000x128xf32>
    %get3A_23 = arith.constant 0 : index
    %get3A_24 = arith.constant 0 : index
    %get3A_25 = vector.load %arg8[%get3A_23, %get3A_24] : memref<1x128xf32, #tpu.memory_space<vmem>>, vector<1x128xf32>
    %add3A_26 = vector.broadcast %get3A_25 : vector<1x128xf32> to vector<1000x128xf32>
    %add3A_27 = arith.addf %dot_general3A_22, %add3A_26 : vector<1000x128xf32>
    %max3A = arith.constant 0.000000e+00 : f32
    %max3A_28 = vector.broadcast %max3A : f32 to vector<1000x128xf32>
    %max3A_29 = arith.maximumf %add3A_27, %max3A_28 : vector<1000x128xf32>
    %get3A_30 = arith.constant 0 : index
    %get3A_31 = arith.constant 0 : index
    %get3A_32 = vector.load %arg9[%get3A_30, %get3A_31] : memref<1x128xf32, #tpu.memory_space<vmem>>, vector<1x128xf32>
    %get3A_33 = arith.constant 0 : index
    %get3A_34 = arith.constant 0 : index
    %get3A_35 = vector.load %arg10[%get3A_33, %get3A_34] : memref<1x128xf32, #tpu.memory_space<vmem>>, vector<1x128xf32>
    %reduce_sum3A = arith.constant dense<0.000000e+00> : vector<1000xf32>
    %reduce_sum3A_36 = vector.multi_reduction <add>, %max3A_29, %reduce_sum3A [1] : vector<1000x128xf32> to vector<1000xf32>
    %broadcast_in_dim3A_37 = vector.shape_cast %reduce_sum3A_36 : vector<1000xf32> to vector<1000x1xf32>
    %div3A = arith.constant 1.280000e+02 : f32
    %div3A_38 = vector.broadcast %div3A : f32 to vector<1000x1xf32>
    %div3A_39 = arith.divf %broadcast_in_dim3A_37, %div3A_38 : vector<1000x1xf32>
    %sub3A = vector.broadcast %div3A_39 : vector<1000x1xf32> to vector<1000x128xf32>
    %sub3A_40 = arith.subf %max3A_29, %sub3A : vector<1000x128xf32>
    %mul3A = arith.mulf %sub3A_40, %sub3A_40 : vector<1000x128xf32>
    %reduce_sum3A_41 = arith.constant dense<0.000000e+00> : vector<1000xf32>
    %reduce_sum3A_42 = vector.multi_reduction <add>, %mul3A, %reduce_sum3A_41 [1] : vector<1000x128xf32> to vector<1000xf32>
    %broadcast_in_dim3A_43 = vector.shape_cast %reduce_sum3A_42 : vector<1000xf32> to vector<1000x1xf32>
    %div3A_44 = arith.constant 1.280000e+02 : f32
    %div3A_45 = vector.broadcast %div3A_44 : f32 to vector<1000x1xf32>
    %div3A_46 = arith.divf %broadcast_in_dim3A_43, %div3A_45 : vector<1000x1xf32>
    %add3A_47 = arith.constant 9.99999974E-6 : f32
    %add3A_48 = vector.broadcast %add3A_47 : f32 to vector<1000x1xf32>
    %add3A_49 = arith.addf %div3A_46, %add3A_48 : vector<1000x1xf32>
    %sqrt3A = math.sqrt %add3A_49 : vector<1000x1xf32>
    %div3A_50 = vector.broadcast %sqrt3A : vector<1000x1xf32> to vector<1000x128xf32>
    %div3A_51 = arith.divf %sub3A_40, %div3A_50 : vector<1000x128xf32>
    %mul3A_52 = vector.broadcast %get3A_32 : vector<1x128xf32> to vector<1000x128xf32>
    %mul3A_53 = arith.mulf %div3A_51, %mul3A_52 : vector<1000x128xf32>
    %add3A_54 = vector.broadcast %get3A_35 : vector<1x128xf32> to vector<1000x128xf32>
    %add3A_55 = arith.addf %mul3A_53, %add3A_54 : vector<1000x128xf32>
    %get3A_56 = arith.constant 0 : index
    %get3A_57 = arith.constant 0 : index
    %get3A_58 = vector.load %arg11[%get3A_56, %get3A_57] : memref<128x128xf32, #tpu.memory_space<vmem>>, vector<128x128xf32>
    %dot_general3A_59 = arith.constant dense<0.000000e+00> : vector<1000x128xf32>
    %dot_general3A_60 = tpu.matmul %add3A_55, %get3A_58, %dot_general3A_59 {dimension_numbers = #tpu.dot_dimension_numbers<[1], [0], [0], [1], [0, 0, 1, 1], [], []>, transpose_lhs_hint = false} : vector<1000x128xf32>, vector<128x128xf32>, vector<1000x128xf32> -> vector<1000x128xf32>
    %get3A_61 = arith.constant 0 : index
    %get3A_62 = arith.constant 0 : index
    %get3A_63 = vector.load %arg12[%get3A_61, %get3A_62] : memref<1x128xf32, #tpu.memory_space<vmem>>, vector<1x128xf32>
    %add3A_64 = vector.broadcast %get3A_63 : vector<1x128xf32> to vector<1000x128xf32>
    %add3A_65 = arith.addf %dot_general3A_60, %add3A_64 : vector<1000x128xf32>
    %max3A_66 = arith.constant 0.000000e+00 : f32
    %max3A_67 = vector.broadcast %max3A_66 : f32 to vector<1000x128xf32>
    %max3A_68 = arith.maximumf %add3A_65, %max3A_67 : vector<1000x128xf32>
    %get3A_69 = arith.constant 0 : index
    %get3A_70 = arith.constant 0 : index
    %get3A_71 = vector.load %arg13[%get3A_69, %get3A_70] : memref<1x128xf32, #tpu.memory_space<vmem>>, vector<1x128xf32>
    %get3A_72 = arith.constant 0 : index
    %get3A_73 = arith.constant 0 : index
    %get3A_74 = vector.load %arg14[%get3A_72, %get3A_73] : memref<1x128xf32, #tpu.memory_space<vmem>>, vector<1x128xf32>
    %reduce_sum3A_75 = arith.constant dense<0.000000e+00> : vector<1000xf32>
    %reduce_sum3A_76 = vector.multi_reduction <add>, %max3A_68, %reduce_sum3A_75 [1] : vector<1000x128xf32> to vector<1000xf32>
    %broadcast_in_dim3A_77 = vector.shape_cast %reduce_sum3A_76 : vector<1000xf32> to vector<1000x1xf32>
    %div3A_78 = arith.constant 1.280000e+02 : f32
    %div3A_79 = vector.broadcast %div3A_78 : f32 to vector<1000x1xf32>
    %div3A_80 = arith.divf %broadcast_in_dim3A_77, %div3A_79 : vector<1000x1xf32>
    %sub3A_81 = vector.broadcast %div3A_80 : vector<1000x1xf32> to vector<1000x128xf32>
    %sub3A_82 = arith.subf %max3A_68, %sub3A_81 : vector<1000x128xf32>
    %mul3A_83 = arith.mulf %sub3A_82, %sub3A_82 : vector<1000x128xf32>
    %reduce_sum3A_84 = arith.constant dense<0.000000e+00> : vector<1000xf32>
    %reduce_sum3A_85 = vector.multi_reduction <add>, %mul3A_83, %reduce_sum3A_84 [1] : vector<1000x128xf32> to vector<1000xf32>
    %broadcast_in_dim3A_86 = vector.shape_cast %reduce_sum3A_85 : vector<1000xf32> to vector<1000x1xf32>
    %div3A_87 = arith.constant 1.280000e+02 : f32
    %div3A_88 = vector.broadcast %div3A_87 : f32 to vector<1000x1xf32>
    %div3A_89 = arith.divf %broadcast_in_dim3A_86, %div3A_88 : vector<1000x1xf32>
    %add3A_90 = arith.constant 9.99999974E-6 : f32
    %add3A_91 = vector.broadcast %add3A_90 : f32 to vector<1000x1xf32>
    %add3A_92 = arith.addf %div3A_89, %add3A_91 : vector<1000x1xf32>
    %sqrt3A_93 = math.sqrt %add3A_92 : vector<1000x1xf32>
    %div3A_94 = vector.broadcast %sqrt3A_93 : vector<1000x1xf32> to vector<1000x128xf32>
    %div3A_95 = arith.divf %sub3A_82, %div3A_94 : vector<1000x128xf32>
    %mul3A_96 = vector.broadcast %get3A_71 : vector<1x128xf32> to vector<1000x128xf32>
    %mul3A_97 = arith.mulf %div3A_95, %mul3A_96 : vector<1000x128xf32>
    %add3A_98 = vector.broadcast %get3A_74 : vector<1x128xf32> to vector<1000x128xf32>
    %add3A_99 = arith.addf %mul3A_97, %add3A_98 : vector<1000x128xf32>
    %get3A_100 = arith.constant 0 : index
    %get3A_101 = arith.constant 0 : index
    %get3A_102 = vector.load %arg15[%get3A_100, %get3A_101] : memref<128x128xf32, #tpu.memory_space<vmem>>, vector<128x128xf32>
    %dot_general3A_103 = arith.constant dense<0.000000e+00> : vector<1000x128xf32>
    %dot_general3A_104 = tpu.matmul %add3A_99, %get3A_102, %dot_general3A_103 {dimension_numbers = #tpu.dot_dimension_numbers<[1], [0], [0], [1], [0, 0, 1, 1], [], []>, transpose_lhs_hint = false} : vector<1000x128xf32>, vector<128x128xf32>, vector<1000x128xf32> -> vector<1000x128xf32>
    %get3A_105 = arith.constant 0 : index
    %get3A_106 = arith.constant 0 : index
    %get3A_107 = vector.load %arg16[%get3A_105, %get3A_106] : memref<1x128xf32, #tpu.memory_space<vmem>>, vector<1x128xf32>
    %add3A_108 = vector.broadcast %get3A_107 : vector<1x128xf32> to vector<1000x128xf32>
    %add3A_109 = arith.addf %dot_general3A_104, %add3A_108 : vector<1000x128xf32>
    %swap3A = arith.constant 0 : index
    %swap3A_110 = arith.constant 0 : index
    %swap3A_111 = vector.load %arg17[%swap3A, %swap3A_110] : memref<1000x128xf32, #tpu.memory_space<vmem>>, vector<1000x128xf32>
    tpu.vector_store %arg17[%swap3A, %swap3A_110], %add3A_109 {strides = array<i32>} : memref<1000x128xf32, #tpu.memory_space<vmem>>, vector<1000x128xf32>,
    %eq3A = arith.constant 0 : i32
    %eq3A_112 = arith.cmpi eq, %arg0, %eq3A : i32
    %convert_element_type3A = arith.extui %eq3A_112 : i1 to i32
    %cond3A = arith.constant 0 : i32
    %cond3A_113 = arith.cmpi ne, %convert_element_type3A, %cond3A : i32
    scf.if %cond3A_113 {
      %broadcast_in_dim3A_124 = arith.constant 0.000000e+00 : f32
      %broadcast_in_dim3A_125 = vector.broadcast %broadcast_in_dim3A_124 : f32 to vector<1x128xf32>
      %swap3A_126 = arith.constant 0 : index
      %swap3A_127 = arith.constant 0 : index
      %swap3A_128 = vector.load %arg18[%swap3A_126, %swap3A_127] : memref<1x128xf32, #tpu.memory_space<vmem>>, vector<1x128xf32>
      tpu.vector_store %arg18[%swap3A_126, %swap3A_127], %broadcast_in_dim3A_125 {strides = array<i32>} : memref<1x128xf32, #tpu.memory_space<vmem>>, vector<1x128xf32>,
    } else {
    }
    %get3A_114 = arith.constant 0 : index
    %get3A_115 = arith.constant 0 : index
    %get3A_116 = vector.load %arg18[%get3A_114, %get3A_115] : memref<1x128xf32, #tpu.memory_space<vmem>>, vector<1x128xf32>
    %reduce_sum3A_117 = arith.constant dense<0.000000e+00> : vector<128xf32>
    %reduce_sum3A_118 = vector.multi_reduction <add>, %add3A_109, %reduce_sum3A_117 [0] : vector<1000x128xf32> to vector<128xf32>
    %broadcast_in_dim3A_119 = vector.shape_cast %reduce_sum3A_118 : vector<128xf32> to vector<1x128xf32>
    %add3A_120 = arith.addf %get3A_116, %broadcast_in_dim3A_119 : vector<1x128xf32>
    %swap3A_121 = arith.constant 0 : index
    %swap3A_122 = arith.constant 0 : index
    %swap3A_123 = vector.load %arg18[%swap3A_121, %swap3A_122] : memref<1x128xf32, #tpu.memory_space<vmem>>, vector<1x128xf32>
    tpu.vector_store %arg18[%swap3A_121, %swap3A_122], %add3A_120 {strides = array<i32>} : memref<1x128xf32, #tpu.memory_space<vmem>>, vector<1x128xf32>,
    return
  }
  func.func @transform_0(%arg0: i32) -> (i32, i32) {
    %c0_i32 = arith.constant 0 : i32
    %c0_i32_0 = arith.constant 0 : i32
    return %arg0, %c0_i32 : i32, i32
  }
  func.func @transform_1(%arg0: i32) -> (i32, i32) {
    %c0_i32 = arith.constant 0 : i32
    %c0_i32_0 = arith.constant 0 : i32
    return %arg0, %c0_i32 : i32, i32
  }
  func.func @transform_2(%arg0: i32) -> (i32, i32) {
    %c0_i32 = arith.constant 0 : i32
    %c0_i32_0 = arith.constant 0 : i32
    return %arg0, %c0_i32 : i32, i32
  }
  func.func @transform_3(%arg0: i32) -> (i32, i32) {
    %c0_i32 = arith.constant 0 : i32
    %c0_i32_0 = arith.constant 0 : i32
    %c0_i32_1 = arith.constant 0 : i32
    return %c0_i32, %c0_i32_0 : i32, i32
  }
  func.func @transform_4(%arg0: i32) -> (i32, i32) {
    %c0_i32 = arith.constant 0 : i32
    %c0_i32_0 = arith.constant 0 : i32
    %c0_i32_1 = arith.constant 0 : i32
    return %c0_i32, %c0_i32_0 : i32, i32
  }
  func.func @transform_5(%arg0: i32) -> (i32, i32) {
    %c0_i32 = arith.constant 0 : i32
    %c0_i32_0 = arith.constant 0 : i32
    %c0_i32_1 = arith.constant 0 : i32
    return %c0_i32, %c0_i32_0 : i32, i32
  }
  func.func @transform_6(%arg0: i32) -> (i32, i32) {
    %c0_i32 = arith.constant 0 : i32
    %c0_i32_0 = arith.constant 0 : i32
    %c0_i32_1 = arith.constant 0 : i32
    return %c0_i32, %c0_i32_0 : i32, i32
  }
  func.func @transform_7(%arg0: i32) -> (i32, i32) {
    %c0_i32 = arith.constant 0 : i32
    %c0_i32_0 = arith.constant 0 : i32
    %c0_i32_1 = arith.constant 0 : i32
    return %c0_i32, %c0_i32_0 : i32, i32
  }
  func.func @transform_8(%arg0: i32) -> (i32, i32) {
    %c0_i32 = arith.constant 0 : i32
    %c0_i32_0 = arith.constant 0 : i32
    %c0_i32_1 = arith.constant 0 : i32
    return %c0_i32, %c0_i32_0 : i32, i32
  }
  func.func @transform_9(%arg0: i32) -> (i32, i32) {
    %c0_i32 = arith.constant 0 : i32
    %c0_i32_0 = arith.constant 0 : i32
    %c0_i32_1 = arith.constant 0 : i32
    return %c0_i32, %c0_i32_0 : i32, i32
  }
  func.func @transform_10(%arg0: i32) -> (i32, i32) {
    %c0_i32 = arith.constant 0 : i32
    %c0_i32_0 = arith.constant 0 : i32
    %c0_i32_1 = arith.constant 0 : i32
    return %c0_i32, %c0_i32_0 : i32, i32
  }
  func.func @transform_11(%arg0: i32) -> (i32, i32) {
    %c0_i32 = arith.constant 0 : i32
    %c0_i32_0 = arith.constant 0 : i32
    %c0_i32_1 = arith.constant 0 : i32
    return %c0_i32, %c0_i32_0 : i32, i32
  }
  func.func @transform_12(%arg0: i32) -> (i32, i32) {
    %c0_i32 = arith.constant 0 : i32
    %c0_i32_0 = arith.constant 0 : i32
    %c0_i32_1 = arith.constant 0 : i32
    return %c0_i32, %c0_i32_0 : i32, i32
  }
  func.func @transform_13(%arg0: i32) -> (i32, i32) {
    %c0_i32 = arith.constant 0 : i32
    %c0_i32_0 = arith.constant 0 : i32
    %c0_i32_1 = arith.constant 0 : i32
    return %c0_i32, %c0_i32_0 : i32, i32
  }
  func.func @transform_14(%arg0: i32) -> (i32, i32) {
    %c0_i32 = arith.constant 0 : i32
    %c0_i32_0 = arith.constant 0 : i32
    %c0_i32_1 = arith.constant 0 : i32
    return %c0_i32, %c0_i32_0 : i32, i32
  }
  func.func @transform_15(%arg0: i32) -> (i32, i32) {
    %c0_i32 = arith.constant 0 : i32
    %c0_i32_0 = arith.constant 0 : i32
    %c0_i32_1 = arith.constant 0 : i32
    return %c0_i32, %c0_i32_0 : i32, i32
  }
  func.func @transform_16(%arg0: i32) -> (i32, i32) {
    %c0_i32 = arith.constant 0 : i32
    %c0_i32_0 = arith.constant 0 : i32
    return %arg0, %c0_i32 : i32, i32
  }
  func.func @transform_17(%arg0: i32) -> (i32, i32) {
    %c0_i32 = arith.constant 0 : i32
    %c0_i32_0 = arith.constant 0 : i32
    %c0_i32_1 = arith.constant 0 : i32
    return %c0_i32, %c0_i32_0 : i32, i32
  }
}

</mosaic_0001>

<sc_bundles>
// kernel: kernel.10.cloned.1.call-start
scs
__scs_entry_jumppad:
0x0: {  	(pc) =	sbr.rel $0x88, $3  }
0x1: {  	(tag) =	ssettag $0x0;
	lr =	simm.s32 $0x1  }
0x2: {  	[smem:$0x3F7F] =	sst lr;
	_ =	strace $0xD0000000  }
0x3: {  	_ = 	snop  }
0x4: {  	_ = 	snop  }
0x5: {  	_ = 	snop  }
0x6: {  	_ = 	snop  }
0x7: {  	_ = 	snop  }
__scs_overlays_trampoline_lowered:
0x8: {  	[smem:$0x3F8E] =	sst s0  }
0x9: {  	[smem:$0x3F8F] =	sst s1  }
0xa: {  	[smem:$0x3F90] =	sst s2  }
0xb: {  	[smem:$0x3F91] =	sst s3  }
0xc: {  	[smem:$0x3F92] =	sst s4  }
0xd: {  	[smem:$0x3F93] =	sst s5  }
0xe: {  	[smem:$0x3F94] =	sst s6  }
0xf: {  	[smem:$0x3F95] =	sst s7  }
0x10: {  	[smem:$0x3F96] =	sst s8  }
0x11: {  	[smem:$0x3F97] =	sst s9;
	s0 =	simm.s32 @!p0 $0x0  }
0x12: {  	s1 =	sld [smem:$0x3F7D];
	s0 =	simm.s32 @p0 $0x1  }
0x13: {  	[smem:$0x3F98] =	sst s0;
	s0 =	simm.s32 @!p1 $0x0  }
0x14: {  	s2 =	sld [smem:$0x3F7C];
	s0 =	simm.s32 @p1 $0x1  }
0x15: {  	[smem:$0x3F99] =	sst s0;
	s0 =	simm.s32 @!p2 $0x0  }
0x16: {  	s3 =	sld [smem:$0x3FDB];
	s0 =	simm.s32 @p2 $0x1  }
0x17: {  	s4 =	simm.s32 $0x1BF5;
	[smem:$0x3F9B] =	sst s0  }
0x18: {  	s0 =	sld [smem:$0x3F7E];
	_ =	swait.ge [sflag:s4], $0x0  }
0x19: {  	s7 =	sld [smem:$0x3F7F]  }
0x1a: {  	s8 =	sadd.s32 $0xFFFFE003, lr  }
0x1b: {  	s9 =	sadd.s32 $0xFFFFFEF7, lr;
	s5 =	simm.s32 $0xFFFFFFFF;
	p2 =	slt.u32 s8, $0xFFFFF086  }
0x1c: {  	p1 =	slt.u32 s9, $0xF7A;
	s5 =	simm.s32 @!p2 $0x0  }
0x1d: {  	s5 =	simm.s32 @p1 $0x1;
	p0 =	seq.s32 s7, s2  }
0x1e: {  	s7 =	smul.u32 @!p0 $0xF7A, s2;
	p2 =	seq.s32 @!p0 s5, $0x0  }
0x1f: {  	s9 =	smul.u32 $0xF7A, s1;
	s8 =	simm.s32 @!p0 $0x1BF5;
	p2 =	por !p2, p0  }
0x20: {  	[sflag:s8] =	ssyncset.s32 @!p0 $0xFFFFF086;
	s6 =	sadd.s32 @!p0 s3, s7;
	s7 =	simm.s32 @!p0 $0x108  }
0x21: {  	s3 =	sadd.s32 s3, s9;
	s6 =	sadd.s32 @!p0 $0x88, s6;
	s7 =	simm.s32 @p2 $0x1082  }
0x22: {  	[simem:s7], [sflag:s8] =	dma.local @!p0 [hbm:s6], $0xF7A  }
0x23: {  	s9 =	sor.u32 $0xD0000000, s2;
	s6 =	simm.s32 $0x108;
	_ =	swait.ge @!p0 [sflag:s8], $0x0  }
0x24: {  	s3 =	sadd.s32 $0x88, s3;
	s6 =	simm.s32 @!p1 $0x1082;
	[sflag:s4] =	ssyncset.s32 $0xFFFFF086  }
0x25: {  	[simem:s6], [sflag:s4] =	dma.local [hbm:s3], $0xF7A  }
0x26: {  	[smem:$0x3F7F] =	sst s1;
	(tag) =	ssettag s2;
	_ =	strace s9  }
0x27: {  	s1 =	sld [smem:$0x3F8F]  }
0x28: {  	s2 =	sld [smem:$0x3F90]  }
0x29: {  	s4 =	sld [smem:$0x3F92]  }
0x2a: {  	p0 =	seq.s32 s5, $0x0;
	s5 =	sld [smem:$0x3F93]  }
0x2b: {  	s6 =	sld [smem:$0x3F94]  }
0x2c: {  	s7 =	sld [smem:$0x3F95]  }
0x2d: {  	s3 =	simm.s32 $0x108;
	s8 =	sld [smem:$0x3F96]  }
0x2e: {  	s3 =	simm.s32 @!p0 $0x1082;
	s9 =	sld [smem:$0x3F97]  }
0x2f: {  	lr =	sadd.s32 s0, s3;
	s0 =	sld [smem:$0x3F8E]  }
0x30: {  	s3 =	sld [smem:$0x3F91]  }
0x31: {  	[smem:$0x3F9A] =	sst s10  }
0x32: {  	s10 =	sld [smem:$0x3F98];
	_ =	sdelay $0x3  }
0x33: {  	p0 =	seq.s32 s10, $0x1;
	s10 =	sld [smem:$0x3F9A];
	_ =	sdelay $0x3  }
0x34: {  	[smem:$0x3F9A] =	sst s10  }
0x35: {  	s10 =	sld [smem:$0x3F99];
	_ =	sdelay $0x3  }
0x36: {  	p1 =	seq.s32 s10, $0x1;
	s10 =	sld [smem:$0x3F9A];
	_ =	sdelay $0x3  }
0x37: {  	[smem:$0x3F9A] =	sst s10  }
0x38: {  	s10 =	sld [smem:$0x3F9B]  }
0x39: {  	_ = 	snop;
	(pc) =	sbr.ind lr, $3  }
0x3a: {  	_ = 	snop  }
0x3b: {  	_ = 	snop  }
0x3c: {  	p2 =	seq.s32 s10, $0x1;
	s10 =	sld [smem:$0x3F9A]  }
0x3d: {  	_ =	shalt  }
0x3e: {  	_ =	shalt  }
0x3f: {  	_ =	shalt  }
0x40: {  	_ =	shalt  }
0x41: {  	_ =	shalt  }
0x42: {  	_ =	shalt  }
0x43: {  	_ =	shalt  }
0x44: {  	_ =	shalt  }
0x45: {  	_ =	shalt  }
0x46: {  	_ =	shalt  }
0x47: {  	_ =	shalt  }
0x48: {  	_ =	shalt  }
0x49: {  	_ =	shalt  }
0x4a: {  	_ =	shalt  }
0x4b: {  	_ =	shalt  }
0x4c: {  	_ =	shalt  }
0x4d: {  	_ =	shalt  }
0x4e: {  	_ =	shalt  }
0x4f: {  	_ =	shalt  }
0x50: {  	_ =	shalt  }
0x51: {  	_ =	shalt  }
0x52: {  	_ =	shalt  }
0x53: {  	_ =	shalt  }
0x54: {  	_ =	shalt  }
0x55: {  	_ =	shalt  }
0x56: {  	_ =	shalt  }
0x57: {  	_ =	shalt  }
0x58: {  	_ =	shalt  }
0x59: {  	_ =	shalt  }
0x5a: {  	_ =	shalt  }
0x5b: {  	_ =	shalt  }
0x5c: {  	_ =	shalt  }
0x5d: {  	_ =	shalt  }
0x5e: {  	_ =	shalt  }
0x5f: {  	_ =	shalt  }
0x60: {  	_ =	shalt  }
0x61: {  	_ =	shalt  }
0x62: {  	_ =	shalt  }
0x63: {  	_ =	shalt  }
0x64: {  	_ =	shalt  }
0x65: {  	_ =	shalt  }
0x66: {  	_ =	shalt  }
0x67: {  	_ =	shalt  }
0x68: {  	_ =	shalt  }
0x69: {  	_ =	shalt  }
0x6a: {  	_ =	shalt  }
0x6b: {  	_ =	shalt  }
0x6c: {  	_ =	shalt  }
0x6d: {  	_ =	shalt  }
0x6e: {  	_ =	shalt  }
0x6f: {  	_ =	shalt  }
0x70: {  	_ =	shalt  }
0x71: {  	_ =	shalt  }
0x72: {  	_ =	shalt  }
0x73: {  	_ =	shalt  }
0x74: {  	_ =	shalt  }
0x75: {  	_ =	shalt  }
0x76: {  	_ =	shalt  }
0x77: {  	_ =	shalt  }
0x78: {  	_ =	shalt  }
0x79: {  	_ =	shalt  }
0x7a: {  	_ =	shalt  }
0x7b: {  	_ =	shalt  }
0x7c: {  	_ =	shalt  }
0x7d: {  	_ =	shalt  }
0x7e: {  	_ =	shalt  }
0x7f: {  	_ =	shalt  }
0x80: {  	_ =	shalt  }
0x81: {  	_ =	shalt  }
0x82: {  	_ =	shalt  }
0x83: {  	_ =	shalt  }
0x84: {  	_ =	shalt  }
0x85: {  	_ =	shalt  }
0x86: {  	_ =	shalt  }
0x87: {  	_ =	shalt  }
.Lfunc_end0:
.L_simem_size_0:
called_computation.1_lowered:
.L_overlay_start_0:
0x88: {  	s2 =	sld [smem:$0x3FD9]  }
0x89: {  	s3 =	sld [smem:$0x3FFE];
	_ =	sdelay $0x1  }
0x8a: {  	s1 =	srdreg.scid  }
0x8b: {  	s0 =	sand.u32 $0x1, s1  }
0x8c: {  	s14 =	sshll.u32 s0, $0xA;
	s2 =	sadd.s32 s3, s2  }
0x8d: {  	s2 =	sadd.s32 s2, s14  }
0x8e: {  	[smem:$0x3FA6] =	sst s2  }
0x8f: {  	_ = 	snop  }
0x90: {  	s2 =	sld [smem:$0x3FD0];
	_ =	sdelay $0x2  }
0x91: {  	s15 =	simm.s32 $0xA;
	s4 =	simm.s32 $0x10  }
0x92: {  	[smem:s4], [sflag:s15] =	dma.local [hbm:s2], $0x1  }
0x93: {  	_ =	swait.eq [sflag:s15], $0x1  }
0x94: {  	[sflag:s15] =	ssyncset.done $0x0  }
0x95: {  	[sflag:s15] =	ssyncadd.s32 $0xFFFFFFFF  }
0x96: {  	s16 =	sld [smem:$0x11];
	(tm) =	ssettm $0x1  }
0x97: {  	s17 =	sld [smem:$0x3FFB];
	_ =	sdelay $0x3  }
0x98: {  	_ =	strace s17  }
0x99: {  	s3 =	sld [smem:$0x3FFC];
	_ =	sdelay $0x3  }
0x9a: {  	_ =	strace s3  }
0x9b: {  	s3 =	sld [smem:$0x3FFD];
	_ =	sdelay $0x3  }
0x9c: {  	_ =	strace s3  }
0x9d: {  	_ =	strace $0x8FFFFFFF  }
0x9e: {  	s18 =	sld [smem:$0x3FDB];
	_ =	sdelay $0x1  }
0x9f: {  	s19 =	simm.s32 $_scs_section_size  }
0xa0: {  	s5 =	simm.s32 $_size__tile_overlayer_lowered;
	s6 =	simm.s32 $_tile_overlayer_lowered  }
0xa1: {  	s22 =	simm.s32 $0x1BFF;
	s21 =	sshll.u32 s6, $0x1;
	s3 =	sadd.s32 s19, s18  }
0xa2: {  	s7 =	simm.s32 $0x0;
	s20 =	sshll.u32 s5, $0x1;
	s5 =	sadd.s32 s21, s3  }
0xa3: {  	[timem:s7], [sflag:s22] =	dma.local [hbm:s5], s20  }
0xa4: {  	_ =	swait.ge [sflag:s22], s20  }
0xa5: {  	s4 =	ssub.s32 $0x0, s20;
	[sflag:s22] =	ssyncset.done $0x0  }
0xa6: {  	[sflag:s22] =	ssyncadd.s32 s4;
	_ =	sdelay $0x1  }
0xa7: {  	s23 =	simm.s32 $0x1B8B  }
0xa8: {  	_ =	swait.ge [sflag:s23], $0x1  }
0xa9: {  	[sflag:s23] =	ssyncset.done $0x0  }
0xaa: {  	s25 =	simm.s32 $0x1B8E;
	s24 =	sld [smem:$0x3FFE];
	[sflag:s23] =	ssyncadd.s32 $0xFFFFFFFF  }
0xab: {  	s26 =	simm.s32 $execute0_lowered;
	[smem:$0x3FD2] =	sst s25  }
0xac: {  	s5 =	sshll.u32 s26, $0x1;
	_ =	strace $0x80000049;
	[dreg:$0x1] =	wrdreg $0xFFFFFFFF  }
0xad: {  	s28 =	simm.s32 $_size_execute0_lowered;
	s3 =	sadd.s32 s3, s5;
	[dreg:$0x0] =	wrdreg $0x0  }
0xae: {  	s5 =	sshll.u32 s28, $0x1;
	[dreg:$0x2] =	wrdreg s3  }
0xaf: {  	[dreg:$0x3] =	wrdreg s5  }
0xb0: {  	[dreg:$0x4] =	wrdreg $0xC0  }
0xb1: {  	_ =	task [dreg:s7], $0x5FFFF  }
0xb2: {  	[dreg:$0x1] =	wrdreg $0xFFFFFFFF  }
0xb3: {  	[dreg:$0x0] =	wrdreg $0x60  }
0xb4: {  	[dreg:$0x2] =	wrdreg s16  }
0xb5: {  	[dreg:$0x3] =	wrdreg s24  }
0xb6: {  	[dreg:$0x4] =	wrdreg $0x51000  }
0xb7: {  	[dreg:$0x5] =	wrdreg $0x9  }
0xb8: {  	_ =	task.clear_ibuf [dreg:s7], $0x6FFFF;
	_ =	strace $0x90000049  }
0xb9: {  	s29 =	simm.s32 $0x9;
	_ =	strace $0x8000004B  }
0xba: {  	_ =	swait.ge [sflag:s29], $0x1  }
0xbb: {  	[sflag:s29] =	ssyncadd.s32 $0xFFFFFFFF  }
0xbc: {  	_ =	strace $0x9000004B  }
0xbd: {  	_ =	sfence  }
0xbe: {  	s30 =	sld [smem:$0x0];
	_ =	sdelay $0x2  }
0xbf: {  	s31 =	sshll.u32 s1, $0xD;
	s1 =	sshrl.u32 s1, $0x2  }
0xc0: {  	s3 =	sand.u32 $0x4000, s31;
	s1 =	sadd.s32 s1, s30  }
0xc1: {  	s0 =	sor.u32 s3, s0;
	s1 =	sshll.u32 s1, $0x11  }
0xc2: {  	s0 =	sor.u32 s1, s0  }
0xc3: {  	s0 =	sadd.s32 $0x8F2B, s0  }
0xc4: {  	[sflag:s0] =	ssyncadd.remote.s32 $0x1  }
0xc5: {  	_ =	sfence.sel $0xFFFF  }
0xc6: {  	[dreg:$0x0] =	wrdreg $0xFFFFFFFF;
	(pc) =	sbr.abs _section_cstart, $3  }
0xc7: {  	[dreg:$0x1] =	wrdreg $0xFFFFFFFF  }
0xc8: {  	_ =	task.clear_ibuf [dreg:s7], $0x2FFFF;
	_ =	strace $0x9FFFFFFF  }
0xc9: {  	(tm) =	ssettm $0x7FFFFFFF  }
tec
execute0_lowered:
.L_overlay_start_1:
0x0: {  	(tag) =	ssettag $0x1  }
0x1: {  	s10 =	rddreg [dreg:$0x0]  }
0x2: {  	s5 =	rddreg [dreg:$0x1]  }
0x3: {  	s2 =	rddreg [dreg:$0x2];
	s1 =	stileid.u32  }
0x4: {  	s0 =	rddreg [dreg:$0x3];
	s6 =	smul.u32 $0x13C00, s1  }
0x5: {  	s4 =	srdreg.scid;
	s13 =	smul.u32 $0x4F000, s1  }
0x6: {  	s3 =	simm.s32 $0x0;
	s18 =	simm.s32 $0x3;
	s26 =	smul.u32 $0x4E200, s1  }
0x7: {  	s19 =	simm.s32 $0x80;
	s9 =	sand.u32 $0x1, s4;
	s29 =	smul.u32 $0x4E20, s1  }
0x8: {  	[smem:$0x7FF] =	sst s3;
	s4 =	sadd.s32 $0xDE00, s5;
	s7 =	smul.u32 $0x13C000, s9  }
0x9: {  	s8 =	sshll.u32 s1, $0x1;
	s16 =	sshll.u32 s1, $0x6;
	s17 =	smul.u32 $0x2710, s9  }
0xa: {  	_ =	strace $0x8000004A;
	s20 =	sor.u32 s9, s8;
	s30 =	smul.u32 $0x27100, s9  }
0xb: {  	s23 =	ssub.s32 $0x2, s9;
	s8 =	sor.u32 $0x1C05, s16;
	s22 =	smul.u32 $0x2710, s20  }
0xc: {  	s16 =	simm.s32 $0x5;
	s11 =	sshrl.u32 s6, $0x3;
	s24 =	smul.u32 $0x27100, s20  }
0xd: {  	s25 =	sshrl.u32 s23, $0x1;
	s28 =	sshrl.u32 s13, $0x2;
	s20 =	simm.s32 $0x2900  }
0xe: {  	s6 =	sadd.s32 s6, s7;
	s21 =	sadd.s32 s11, s5;
	s14 =	ssub.s32 s23, s25  }
0xf: {  	s15 =	sadd.s32 s28, s2;
	s31 =	sadd.s32 s17, s29;
	s17 =	simm.s32 $0x1  }
0x10: {  	s23 =	simm.s32 $0x4;
	s6 =	sshrl.u32 s6, $0x3;
	s11 =	sshrl.u32 s22, $0x3  }
0x11: {  	s7 =	sadd.s32 $0x17C00, s21;
	s13 =	sadd.s32 $0x50, s31;
	s15 =	sshrl.u32 s15, $0x3  }
0x12: {  	s21 =	simm.s32 $0x50;
	s22 =	simm.s32 $0x2;
	s12 =	sadd.s32 s6, s5  }
0x13: {  	s5 =	sadd.s32 s4, s11;
	s6 =	sadd.s32 s10, s24;
	s11 =	sadd.s32 s26, s10  }
0x14: {  	s10 =	smax.u32 s14, $0x1;
	s13 =	sshrl.u32 s13, $0x3;
	s14 =	simm.s32 $0x100  }
0x15: {  	s24 =	simm.s32 $0x0;
	s9 =	sadd.s32 $0x3F400, s12;
	s11 =	sadd.s32 s30, s11  }
0x16: {  	s12 =	sadd.s32 $0xA0, s31;
	s13 =	sadd.s32 s13, s4;
	s11 =	sadd.s32 $0xA00, s11  }
.LBB2_1:
0x17: {  	[tilespmem:s3], [sflag:$0x1] =	stream.linear.gather [hbm4b:s5+s3], $0x50, $0x38;
	[tilespmem:$0x18D00] =	vst v63  }
0x18: {  	_ = 	snop  }
0x19: {  	[tilespmem:s14], [sflag:$0x3] =	stream.linear.gather [hbm4b:s6+s3], $0x2800, $0x38;
	[tilespmem:$0x18D00] =	vst v63  }
0x1a: {  	[spmem:s15], [sflag:s8] =	dma.local [hbm:s7], $0x2780  }
0x1b: {  	_ =	swait.ge [sflag:s16], $0x2780  }
0x1c: {  	[sflag:s16] =	ssyncset.done $0x0  }
0x1d: {  	[sflag:s16] =	ssyncadd.s32 $0xFFFFD880  }
0x1e: {  	[bflag:$0x0] =	sbarrier.arrive $0xFFFF  }
0x1f: {  	_ =	swait.ge [sflag:s17], $0x50  }
0x20: {  	[sflag:s17] =	ssyncset.done $0x0  }
0x21: {  	[sflag:s17] =	ssyncadd.s32 $0xFFFFFFB0  }
0x22: {  	_ =	swait.ge [sflag:s18], $0x2800  }
0x23: {  	[sflag:s18] =	ssyncset.done $0x0  }
0x24: {  	s25 =	sadd.s32 $0x0, s13;
	[sflag:s18] =	ssyncadd.s32 $0xFFFFD800  }
0x25: {  	[tilespmem:s19], [sflag:$0x2] =	stream.linear.gather [hbm4b:s25+s3], $0x50, $0x38;
	[tilespmem:$0x18D00] =	vst v63  }
0x26: {  	s30 =	sadd.s32 $0xFFFFFB00, s11  }
0x27: {  	[tilespmem:s20], [sflag:$0x4] =	stream.linear.gather [hbm4b:s30+s3], $0x2800, $0x38;
	[tilespmem:$0x18D00] =	vst v63  }
0x28: {  	_ = 	snop  }
0x29: {  	[spmem:s2] =	stream.indirect.scatter.add.f32 [tilespmem:s14], [sflag:$0x5], $0x80, s3, s21, $0xb8;
	[tilespmem:$0x18D00] =	vst v63  }
0x2a: {  	_ =	swait.ge [sflag:s16], $0x2800  }
0x2b: {  	[sflag:s16] =	ssyncset.done $0x0  }
0x2c: {  	[sflag:s16] =	ssyncadd.s32 $0xFFFFD800  }
0x2d: {  	_ =	swait.ge [sflag:s22], $0x50  }
0x2e: {  	[sflag:s22] =	ssyncset.done $0x0  }
0x2f: {  	[sflag:s22] =	ssyncadd.s32 $0xFFFFFFB0  }
0x30: {  	_ =	swait.ge [sflag:s23], $0x2800  }
0x31: {  	s31 =	sshrl.u32 s12, $0x3;
	[sflag:s23] =	ssyncset.done $0x0  }
0x32: {  	s25 =	sadd.s32 s4, s31;
	[sflag:s23] =	ssyncadd.s32 $0xFFFFD800  }
0x33: {  	[tilespmem:s3], [sflag:$0x1] =	stream.linear.gather [hbm4b:s25+s3], $0x50, $0x38;
	[tilespmem:$0x18D00] =	vst v63  }
0x34: {  	_ = 	snop  }
0x35: {  	[tilespmem:s14], [sflag:$0x3] =	stream.linear.gather [hbm4b:s11+s3], $0x2800, $0x38;
	[tilespmem:$0x18D00] =	vst v63  }
0x36: {  	_ = 	snop  }
0x37: {  	[spmem:s2] =	stream.indirect.scatter.add.f32 [tilespmem:s20], [sflag:$0x5], $0x80, s19, s21, $0xb8;
	[tilespmem:$0x18D00] =	vst v63  }
0x38: {  	s26 =	smov.u32 s11;
	_ =	swait.ge [sflag:s16], $0x2800  }
0x39: {  	s28 =	smov.u32 s12;
	s25 =	simm.s32 $0x14;
	[sflag:s16] =	ssyncset.done $0x0  }
.LBB2_2:
0x3a: {  	[sflag:s16] =	ssyncadd.s32 $0xFFFFD800;
	s26 =	sadd.s32 $0xA00, s26;
	s28 =	sadd.s32 $0xA0, s28  }
0x3b: {  	p0 =	sne.s32 s25, $0x4C4;
	s29 =	smov.u32 s25;
	s25 =	sadd.s32 $0x14, s25  }
0x3c: {  	_ =	swait.ge [sflag:s17], $0x50  }
0x3d: {  	[sflag:s17] =	ssyncset.done $0x0  }
0x3e: {  	[sflag:s17] =	ssyncadd.s32 $0xFFFFFFB0  }
0x3f: {  	_ =	swait.ge [sflag:s18], $0x2800  }
0x40: {  	[sflag:s18] =	ssyncset.done $0x0  }
0x41: {  	s29 =	sadd.s32 s29, s13;
	[sflag:s18] =	ssyncadd.s32 $0xFFFFD800  }
0x42: {  	[tilespmem:s19], [sflag:$0x2] =	stream.linear.gather [hbm4b:s29+s3], $0x50, $0x38;
	[tilespmem:$0x18D00] =	vst v63  }
0x43: {  	s29 =	sadd.s32 $0xFFFFFB00, s26  }
0x44: {  	[tilespmem:s20], [sflag:$0x4] =	stream.linear.gather [hbm4b:s29+s3], $0x2800, $0x38;
	[tilespmem:$0x18D00] =	vst v63  }
0x45: {  	_ = 	snop  }
0x46: {  	[spmem:s2] =	stream.indirect.scatter.add.f32 [tilespmem:s14], [sflag:$0x5], $0x80, s3, s21, $0xb8;
	[tilespmem:$0x18D00] =	vst v63  }
0x47: {  	_ =	swait.ge [sflag:s16], $0x2800  }
0x48: {  	[sflag:s16] =	ssyncset.done $0x0  }
0x49: {  	[sflag:s16] =	ssyncadd.s32 $0xFFFFD800  }
0x4a: {  	_ =	swait.ge [sflag:s22], $0x50  }
0x4b: {  	[sflag:s22] =	ssyncset.done $0x0  }
0x4c: {  	[sflag:s22] =	ssyncadd.s32 $0xFFFFFFB0  }
0x4d: {  	_ =	swait.ge [sflag:s23], $0x2800  }
0x4e: {  	s29 =	sshrl.u32 s28, $0x3;
	[sflag:s23] =	ssyncset.done $0x0  }
0x4f: {  	s29 =	sadd.s32 s4, s29;
	[sflag:s23] =	ssyncadd.s32 $0xFFFFD800  }
0x50: {  	[tilespmem:s3], [sflag:$0x1] =	stream.linear.gather [hbm4b:s29+s3], $0x50, $0x38;
	[tilespmem:$0x18D00] =	vst v63  }
0x51: {  	_ = 	snop  }
0x52: {  	[tilespmem:s14], [sflag:$0x3] =	stream.linear.gather [hbm4b:s26+s3], $0x2800, $0x38;
	[tilespmem:$0x18D00] =	vst v63  }
.Ltmp0:
0x53: {  	_ = 	snop;
	(pc) =	sbr.rel @p0 .LBB2_2-.Ltmp0, $4  }
0x54: {  	_ = 	snop  }
0x55: {  	[spmem:s2] =	stream.indirect.scatter.add.f32 [tilespmem:s20], [sflag:$0x5], $0x80, s19, s21, $0xb8;
	[tilespmem:$0x18D00] =	vst v63  }
0x56: {  	_ =	swait.ge [sflag:s16], $0x2800  }
0x57: {  	[sflag:s16] =	ssyncset.done $0x0  }
0x58: {  	[sflag:s16] =	ssyncadd.s32 $0xFFFFD800  }
0x59: {  	_ =	swait.ge [sflag:s17], $0x50  }
0x5a: {  	[sflag:s17] =	ssyncset.done $0x0  }
0x5b: {  	[sflag:s17] =	ssyncadd.s32 $0xFFFFFFB0  }
0x5c: {  	_ =	swait.ge [sflag:s18], $0x2800  }
0x5d: {  	[sflag:s18] =	ssyncset.done $0x0  }
0x5e: {  	[sflag:s18] =	ssyncadd.s32 $0xFFFFD800  }
0x5f: {  	[spmem:s2] =	stream.indirect.scatter.add.f32 [tilespmem:s14], [sflag:$0x5], $0x80, s3, s21, $0xb8;
	[tilespmem:$0x18D00] =	vst v63  }
0x60: {  	_ =	swait.ge [sflag:s16], $0x2800  }
0x61: {  	s24 =	sadd.s32 $0x1, s24;
	[sflag:s16] =	ssyncset.done $0x0  }
0x62: {  	p0 =	sne.s32 s24, s10;
	[sflag:s16] =	ssyncadd.s32 $0xFFFFD800  }
.Ltmp1:
0x63: {  	[bflag:$0x0] =	sbarrier.arrive $0xFFFF;
	(pc) =	sbr.rel @p0 .LBB2_1-.Ltmp1, $4  }
0x64: {  	[hbm:s9], [sflag:s8] =	dma.local [spmem:s15], $0x2780  }
0x65: {  	_ =	swait.ge [sflag:s16], $0x2780  }
0x66: {  	[sflag:s16] =	ssyncset.done $0x0  }
0x67: {  	[sflag:s16] =	ssyncadd.s32 $0xFFFFD880  }
0x68: {  	_ =	sfence.sel $0x180000  }
0x69: {  	[bflag:$0x0] =	sbarrier.arrive $0xFFFF  }
0x6a: {  	p0 =	sne.s32 s1, $0x0;
	_ =	strace $0x9000004A  }
0x6b: {  	s0 =	sadd.s32 @!p0 $0x100000, s0;
	[bflag:$0x2] =	sbarrier.arrive $0xFFFF  }
0x6c: {  	[sflag:s0] =	ssyncadd.tile.s32 @!p0 $0x1;
	_ =	shalt  }
.Lfunc_end2:
_tile_overlayer_lowered:
.L_overlay_start_2:
0x6d: {  	(tag) =	ssettag $0x2  }
0x6e: {  	s0 =	rddreg [dreg:$0x0];
	s2 =	stileid.u32  }
0x6f: {  	s1 =	rddreg [dreg:$0x1];
	p0 =	sne.s32 s2, $0x0  }
0x70: {  	s3 =	rddreg [dreg:$0x2];
	[bflag:$0x3] =	sbarrier.arrive $0xFFFF;
	s2 =	simm.s32 @!p0 $0x1C05  }
0x71: {  	[timem:s3], [sflag:s2] =	dma.local @!p0 [hbm:s0], s1  }
0x72: {  	s0 =	simm.s32 @!p0 $0x5  }
0x73: {  	_ =	swait.ge @!p0 [sflag:s0], s1  }
0x74: {  	s1 =	ssub.s32 @!p0 $0x0, s1;
	[sflag:s0] =	ssyncset.done @!p0 $0x0  }
0x75: {  	[sflag:s0] =	ssyncadd.s32 @!p0 s1  }
0x76: {  	[bflag:$0x3] =	sbarrier.arrive $0xFFFF  }
0x77: {  	_ =	shalt  }

// kernel: kernel.7.cloned.1.call-start
scs
__scs_entry_jumppad:
0x0: {  	(pc) =	sbr.rel $0x88, $3  }
0x1: {  	(tag) =	ssettag $0x0;
	lr =	simm.s32 $0x1  }
0x2: {  	[smem:$0x3F7F] =	sst lr;
	_ =	strace $0xD0000000  }
0x3: {  	_ = 	snop  }
0x4: {  	_ = 	snop  }
0x5: {  	_ = 	snop  }
0x6: {  	_ = 	snop  }
0x7: {  	_ = 	snop  }
__scs_overlays_trampoline_lowered:
0x8: {  	[smem:$0x3F8E] =	sst s0  }
0x9: {  	[smem:$0x3F8F] =	sst s1  }
0xa: {  	[smem:$0x3F90] =	sst s2  }
0xb: {  	[smem:$0x3F91] =	sst s3  }
0xc: {  	[smem:$0x3F92] =	sst s4  }
0xd: {  	[smem:$0x3F93] =	sst s5  }
0xe: {  	[smem:$0x3F94] =	sst s6  }
0xf: {  	[smem:$0x3F95] =	sst s7  }
0x10: {  	[smem:$0x3F96] =	sst s8  }
0x11: {  	[smem:$0x3F97] =	sst s9;
	s0 =	simm.s32 @!p0 $0x0  }
0x12: {  	s1 =	sld [smem:$0x3F7D];
	s0 =	simm.s32 @p0 $0x1  }
0x13: {  	[smem:$0x3F98] =	sst s0;
	s0 =	simm.s32 @!p1 $0x0  }
0x14: {  	s2 =	sld [smem:$0x3F7C];
	s0 =	simm.s32 @p1 $0x1  }
0x15: {  	[smem:$0x3F99] =	sst s0;
	s0 =	simm.s32 @!p2 $0x0  }
0x16: {  	s3 =	sld [smem:$0x3FDB];
	s0 =	simm.s32 @p2 $0x1  }
0x17: {  	s4 =	simm.s32 $0x1BF5;
	[smem:$0x3F9B] =	sst s0  }
0x18: {  	s0 =	sld [smem:$0x3F7E];
	_ =	swait.ge [sflag:s4], $0x0  }
0x19: {  	s7 =	sld [smem:$0x3F7F]  }
0x1a: {  	s8 =	sadd.s32 $0xFFFFE003, lr  }
0x1b: {  	s9 =	sadd.s32 $0xFFFFFEF7, lr;
	s5 =	simm.s32 $0xFFFFFFFF;
	p2 =	slt.u32 s8, $0xFFFFF086  }
0x1c: {  	p1 =	slt.u32 s9, $0xF7A;
	s5 =	simm.s32 @!p2 $0x0  }
0x1d: {  	s5 =	simm.s32 @p1 $0x1;
	p0 =	seq.s32 s7, s2  }
0x1e: {  	s7 =	smul.u32 @!p0 $0xF7A, s2;
	p2 =	seq.s32 @!p0 s5, $0x0  }
0x1f: {  	s9 =	smul.u32 $0xF7A, s1;
	s8 =	simm.s32 @!p0 $0x1BF5;
	p2 =	por !p2, p0  }
0x20: {  	[sflag:s8] =	ssyncset.s32 @!p0 $0xFFFFF086;
	s6 =	sadd.s32 @!p0 s3, s7;
	s7 =	simm.s32 @!p0 $0x108  }
0x21: {  	s3 =	sadd.s32 s3, s9;
	s6 =	sadd.s32 @!p0 $0x88, s6;
	s7 =	simm.s32 @p2 $0x1082  }
0x22: {  	[simem:s7], [sflag:s8] =	dma.local @!p0 [hbm:s6], $0xF7A  }
0x23: {  	s9 =	sor.u32 $0xD0000000, s2;
	s6 =	simm.s32 $0x108;
	_ =	swait.ge @!p0 [sflag:s8], $0x0  }
0x24: {  	s3 =	sadd.s32 $0x88, s3;
	s6 =	simm.s32 @!p1 $0x1082;
	[sflag:s4] =	ssyncset.s32 $0xFFFFF086  }
0x25: {  	[simem:s6], [sflag:s4] =	dma.local [hbm:s3], $0xF7A  }
0x26: {  	[smem:$0x3F7F] =	sst s1;
	(tag) =	ssettag s2;
	_ =	strace s9  }
0x27: {  	s1 =	sld [smem:$0x3F8F]  }
0x28: {  	s2 =	sld [smem:$0x3F90]  }
0x29: {  	s4 =	sld [smem:$0x3F92]  }
0x2a: {  	p0 =	seq.s32 s5, $0x0;
	s5 =	sld [smem:$0x3F93]  }
0x2b: {  	s6 =	sld [smem:$0x3F94]  }
0x2c: {  	s7 =	sld [smem:$0x3F95]  }
0x2d: {  	s3 =	simm.s32 $0x108;
	s8 =	sld [smem:$0x3F96]  }
0x2e: {  	s3 =	simm.s32 @!p0 $0x1082;
	s9 =	sld [smem:$0x3F97]  }
0x2f: {  	lr =	sadd.s32 s0, s3;
	s0 =	sld [smem:$0x3F8E]  }
0x30: {  	s3 =	sld [smem:$0x3F91]  }
0x31: {  	[smem:$0x3F9A] =	sst s10  }
0x32: {  	s10 =	sld [smem:$0x3F98];
	_ =	sdelay $0x3  }
0x33: {  	p0 =	seq.s32 s10, $0x1;
	s10 =	sld [smem:$0x3F9A];
	_ =	sdelay $0x3  }
0x34: {  	[smem:$0x3F9A] =	sst s10  }
0x35: {  	s10 =	sld [smem:$0x3F99];
	_ =	sdelay $0x3  }
0x36: {  	p1 =	seq.s32 s10, $0x1;
	s10 =	sld [smem:$0x3F9A];
	_ =	sdelay $0x3  }
0x37: {  	[smem:$0x3F9A] =	sst s10  }
0x38: {  	s10 =	sld [smem:$0x3F9B]  }
0x39: {  	_ = 	snop;
	(pc) =	sbr.ind lr, $3  }
0x3a: {  	_ = 	snop  }
0x3b: {  	_ = 	snop  }
0x3c: {  	p2 =	seq.s32 s10, $0x1;
	s10 =	sld [smem:$0x3F9A]  }
0x3d: {  	_ =	shalt  }
0x3e: {  	_ =	shalt  }
0x3f: {  	_ =	shalt  }
0x40: {  	_ =	shalt  }
0x41: {  	_ =	shalt  }
0x42: {  	_ =	shalt  }
0x43: {  	_ =	shalt  }
0x44: {  	_ =	shalt  }
0x45: {  	_ =	shalt  }
0x46: {  	_ =	shalt  }
0x47: {  	_ =	shalt  }
0x48: {  	_ =	shalt  }
0x49: {  	_ =	shalt  }
0x4a: {  	_ =	shalt  }
0x4b: {  	_ =	shalt  }
0x4c: {  	_ =	shalt  }
0x4d: {  	_ =	shalt  }
0x4e: {  	_ =	shalt  }
0x4f: {  	_ =	shalt  }
0x50: {  	_ =	shalt  }
0x51: {  	_ =	shalt  }
0x52: {  	_ =	shalt  }
0x53: {  	_ =	shalt  }
0x54: {  	_ =	shalt  }
0x55: {  	_ =	shalt  }
0x56: {  	_ =	shalt  }
0x57: {  	_ =	shalt  }
0x58: {  	_ =	shalt  }
0x59: {  	_ =	shalt  }
0x5a: {  	_ =	shalt  }
0x5b: {  	_ =	shalt  }
0x5c: {  	_ =	shalt  }
0x5d: {  	_ =	shalt  }
0x5e: {  	_ =	shalt  }
0x5f: {  	_ =	shalt  }
0x60: {  	_ =	shalt  }
0x61: {  	_ =	shalt  }
0x62: {  	_ =	shalt  }
0x63: {  	_ =	shalt  }
0x64: {  	_ =	shalt  }
0x65: {  	_ =	shalt  }
0x66: {  	_ =	shalt  }
0x67: {  	_ =	shalt  }
0x68: {  	_ =	shalt  }
0x69: {  	_ =	shalt  }
0x6a: {  	_ =	shalt  }
0x6b: {  	_ =	shalt  }
0x6c: {  	_ =	shalt  }
0x6d: {  	_ =	shalt  }
0x6e: {  	_ =	shalt  }
0x6f: {  	_ =	shalt  }
0x70: {  	_ =	shalt  }
0x71: {  	_ =	shalt  }
0x72: {  	_ =	shalt  }
0x73: {  	_ =	shalt  }
0x74: {  	_ =	shalt  }
0x75: {  	_ =	shalt  }
0x76: {  	_ =	shalt  }
0x77: {  	_ =	shalt  }
0x78: {  	_ =	shalt  }
0x79: {  	_ =	shalt  }
0x7a: {  	_ =	shalt  }
0x7b: {  	_ =	shalt  }
0x7c: {  	_ =	shalt  }
0x7d: {  	_ =	shalt  }
0x7e: {  	_ =	shalt  }
0x7f: {  	_ =	shalt  }
0x80: {  	_ =	shalt  }
0x81: {  	_ =	shalt  }
0x82: {  	_ =	shalt  }
0x83: {  	_ =	shalt  }
0x84: {  	_ =	shalt  }
0x85: {  	_ =	shalt  }
0x86: {  	_ =	shalt  }
0x87: {  	_ =	shalt  }
.Lfunc_end0:
.L_simem_size_0:
called_computation_lowered:
.L_overlay_start_0:
0x88: {  	s2 =	sld [smem:$0x3FD9]  }
0x89: {  	s3 =	sld [smem:$0x3FFE];
	_ =	sdelay $0x1  }
0x8a: {  	s1 =	srdreg.scid  }
0x8b: {  	s0 =	sand.u32 $0x1, s1  }
0x8c: {  	s14 =	sshll.u32 s0, $0xA;
	s2 =	sadd.s32 s3, s2  }
0x8d: {  	s2 =	sadd.s32 s2, s14  }
0x8e: {  	[smem:$0x3FA6] =	sst s2  }
0x8f: {  	_ = 	snop  }
0x90: {  	s2 =	sld [smem:$0x3FD0];
	_ =	sdelay $0x2  }
0x91: {  	s15 =	simm.s32 $0xA;
	s4 =	simm.s32 $0x10  }
0x92: {  	[smem:s4], [sflag:s15] =	dma.local [hbm:s2], $0x1  }
0x93: {  	_ =	swait.eq [sflag:s15], $0x1  }
0x94: {  	[sflag:s15] =	ssyncset.done $0x0  }
0x95: {  	s16 =	sld [smem:$0x10];
	[sflag:s15] =	ssyncadd.s32 $0xFFFFFFFF  }
0x96: {  	s17 =	sld [smem:$0x11];
	(tm) =	ssettm $0x1  }
0x97: {  	s18 =	sld [smem:$0x3FFB];
	_ =	sdelay $0x3  }
0x98: {  	_ =	strace s18  }
0x99: {  	s4 =	sld [smem:$0x3FFC];
	_ =	sdelay $0x3  }
0x9a: {  	_ =	strace s4  }
0x9b: {  	s4 =	sld [smem:$0x3FFD];
	_ =	sdelay $0x3  }
0x9c: {  	_ =	strace s4  }
0x9d: {  	_ =	strace $0x8FFFFFFF  }
0x9e: {  	s19 =	sld [smem:$0x3FDB];
	_ =	sdelay $0x1  }
0x9f: {  	s5 =	simm.s32 $_scs_section_size  }
0xa0: {  	s6 =	simm.s32 $_size__tile_overlayer_lowered;
	s7 =	simm.s32 $_tile_overlayer_lowered  }
0xa1: {  	s22 =	simm.s32 $0x1BFF;
	s21 =	sshll.u32 s7, $0x1;
	s4 =	sadd.s32 s5, s19  }
0xa2: {  	s8 =	simm.s32 $0x0;
	s20 =	sshll.u32 s6, $0x1;
	s6 =	sadd.s32 s21, s4  }
0xa3: {  	[timem:s8], [sflag:s22] =	dma.local [hbm:s6], s20  }
0xa4: {  	_ =	swait.ge [sflag:s22], s20  }
0xa5: {  	s5 =	ssub.s32 $0x0, s20;
	[sflag:s22] =	ssyncset.done $0x0  }
0xa6: {  	[sflag:s22] =	ssyncadd.s32 s5;
	_ =	sdelay $0x1  }
0xa7: {  	s23 =	simm.s32 $0x1B8B  }
0xa8: {  	_ =	swait.ge [sflag:s23], $0x1  }
0xa9: {  	[sflag:s23] =	ssyncset.done $0x0  }
0xaa: {  	s25 =	simm.s32 $0x1B8E;
	s24 =	sld [smem:$0x3FFE];
	[sflag:s23] =	ssyncadd.s32 $0xFFFFFFFF  }
0xab: {  	s26 =	simm.s32 $execute0_lowered;
	[smem:$0x3FD2] =	sst s25  }
0xac: {  	s6 =	sshll.u32 s26, $0x1;
	_ =	strace $0x80000046;
	[dreg:$0x1] =	wrdreg $0xFFFFFFFF  }
0xad: {  	s28 =	simm.s32 $_size_execute0_lowered;
	s4 =	sadd.s32 s4, s6;
	[dreg:$0x0] =	wrdreg $0x0  }
0xae: {  	s6 =	sshll.u32 s28, $0x1;
	[dreg:$0x2] =	wrdreg s4  }
0xaf: {  	[dreg:$0x3] =	wrdreg s6  }
0xb0: {  	[dreg:$0x4] =	wrdreg $0xC0  }
0xb1: {  	_ =	task [dreg:s8], $0x5FFFF  }
0xb2: {  	[dreg:$0x1] =	wrdreg $0xFFFFFFFF  }
0xb3: {  	[dreg:$0x0] =	wrdreg $0x60  }
0xb4: {  	[dreg:$0x2] =	wrdreg s16  }
0xb5: {  	[dreg:$0x3] =	wrdreg s17  }
0xb6: {  	[dreg:$0x4] =	wrdreg s24  }
0xb7: {  	[dreg:$0x5] =	wrdreg $0x9  }
0xb8: {  	_ =	task.clear_ibuf [dreg:s8], $0x6FFFF;
	_ =	strace $0x90000046  }
0xb9: {  	s29 =	simm.s32 $0x9;
	_ =	strace $0x80000048  }
0xba: {  	_ =	swait.ge [sflag:s29], $0x1  }
0xbb: {  	[sflag:s29] =	ssyncadd.s32 $0xFFFFFFFF  }
0xbc: {  	_ =	strace $0x90000048  }
0xbd: {  	_ =	sfence  }
0xbe: {  	s30 =	sld [smem:$0x0];
	_ =	sdelay $0x2  }
0xbf: {  	s31 =	sshll.u32 s1, $0xD;
	s1 =	sshrl.u32 s1, $0x2  }
0xc0: {  	s3 =	sand.u32 $0x4000, s31;
	s1 =	sadd.s32 s1, s30  }
0xc1: {  	s0 =	sor.u32 s3, s0;
	s1 =	sshll.u32 s1, $0x11  }
0xc2: {  	s0 =	sor.u32 s1, s0  }
0xc3: {  	s0 =	sadd.s32 $0x8F2B, s0  }
0xc4: {  	[sflag:s0] =	ssyncadd.remote.s32 $0x1  }
0xc5: {  	_ =	sfence.sel $0xFFFF  }
0xc6: {  	[dreg:$0x0] =	wrdreg $0xFFFFFFFF;
	(pc) =	sbr.abs _section_cstart, $3  }
0xc7: {  	[dreg:$0x1] =	wrdreg $0xFFFFFFFF  }
0xc8: {  	_ =	task.clear_ibuf [dreg:s8], $0x2FFFF;
	_ =	strace $0x9FFFFFFF  }
0xc9: {  	(tm) =	ssettm $0x7FFFFFFF  }
tec
execute0_lowered:
.L_overlay_start_1:
0x0: {  	(tag) =	ssettag $0x1  }
0x1: {  	s1 =	rddreg [dreg:$0x0];
	s2 =	srdreg.scid  }
0x2: {  	s0 =	stileid.u32;
	s3 =	rddreg [dreg:$0x1]  }
0x3: {  	s7 =	rddreg [dreg:$0x2];
	s4 =	simm.s32 $0x0;
	s12 =	simm.s32 $0x2780  }
0x4: {  	s13 =	simm.s32 $0x50;
	s14 =	simm.s32 $0x4F00;
	s15 =	simm.s32 $0x9F00  }
0x5: {  	s16 =	simm.s32 $0x1;
	s17 =	simm.s32 $0x3;
	s18 =	simm.s32 $0x7700  }
0x6: {  	s19 =	simm.s32 $0xC700;
	s20 =	simm.s32 $0x2;
	s21 =	simm.s32 $0x4  }
0x7: {  	s22 =	simm.s32 $0x5;
	s6 =	sand.u32 $0x1, s2;
	s30 =	sshll.u32 s0, $0x1  }
0x8: {  	s23 =	simm.s32 $0x6;
	s24 =	simm.s32 $0x0;
	s8 =	sor.u32 s6, s30  }
0x9: {  	s2 =	rddreg [dreg:$0x3];
	s10 =	ssub.s32 $0x2, s6;
	s5 =	smul.u32 $0x2710, s8  }
0xa: {  	[smem:$0x7FF] =	sst s4;
	s8 =	smul.u32 $0x138800, s8;
	s11 =	sshrl.u32 s10, $0x1  }
0xb: {  	_ =	strace $0x80000047;
	s6 =	sadd.s32 $0x17C00, s7;
	s10 =	ssub.s32 s10, s11  }
0xc: {  	s11 =	simm.s32 $0x7;
	s9 =	sshrl.u32 s5, $0x3;
	s8 =	sshrl.u32 s8, $0x3  }
0xd: {  	s10 =	smax.u32 s10, $0x1;
	s9 =	sadd.s32 s9, s7;
	s31 =	sadd.s32 s6, s8  }
0xe: {  	s7 =	sadd.s32 $0x4000, s9;
	s8 =	sadd.s32 $0xDE00, s9;
	s9 =	sadd.s32 $0x26C00, s31  }
.LBB2_1:
0xf: {  	[tilespmem:s4], [sflag:$0x7] =	stream.linear.gather [hbm4b:s7+s4], $0x2710, $0x38;
	[tilespmem:$0xEF00] =	vst v63  }
0x10: {  	_ =	swait.ge [sflag:s11], $0x2710  }
0x11: {  	[sflag:s11] =	ssyncset.done $0x0  }
0x12: {  	[sflag:s11] =	ssyncadd.s32 $0xFFFFD8F0  }
0x13: {  	[tilespmem:s12], [sflag:$0x7] =	stream.linear.gather [hbm4b:s8+s4], $0x2710, $0x38;
	[tilespmem:$0xEF00] =	vst v63  }
0x14: {  	_ =	swait.ge [sflag:s11], $0x2710  }
0x15: {  	[sflag:s11] =	ssyncset.done $0x0  }
0x16: {  	[sflag:s11] =	ssyncadd.s32 $0xFFFFD8F0  }
0x17: {  	[tilespmem:s14], [sflag:$0x1] =	stream.indirect.gather [hbm4b:s1+s13], $0x80, s4, s13, $0xb8;
	[tilespmem:$0xEF00] =	vst v63  }
0x18: {  	s25 =	simm.s32 $0x0  }
0x19: {  	[tilespmem:s15], [sflag:$0x3] =	stream.indirect.gather [hbm4b:s3+s13], $0x80, s12, s13, $0xb8;
	[tilespmem:$0xEF00] =	vst v63  }
.LBB2_2:
0x1a: {  	_ =	swait.ge [sflag:s16], $0x2800  }
0x1b: {  	[sflag:s16] =	ssyncset.done $0x0  }
0x1c: {  	[sflag:s16] =	ssyncadd.s32 $0xFFFFD800  }
0x1d: {  	_ =	swait.ge [sflag:s17], $0x2800  }
0x1e: {  	p0 =	seq.s32 s25, $0x0;
	[sflag:s17] =	ssyncset.done $0x0  }
0x1f: {  	s26 =	simm.s32 @!p0 $0x6;
	[sflag:s17] =	ssyncadd.s32 $0xFFFFD800  }
0x20: {  	s28 =	smul.u32 $0xA0, s25;
	_ =	swait.ge @!p0 [sflag:s26], $0x2800  }
0x21: {  	[sflag:s26] =	ssyncset.done @!p0 $0x0  }
0x22: {  	[sflag:s26] =	ssyncadd.s32 @!p0 $0xFFFFD800;
	s26 =	sadd.s32 $0x50, s28  }
0x23: {  	[tilespmem:s18], [sflag:$0x2] =	stream.indirect.gather [hbm4b:s1+s13], $0x80, s26, s13, $0xb8;
	[tilespmem:$0xEF00] =	vst v63  }
0x24: {  	s29 =	sadd.s32 $0x27D0, s28  }
0x25: {  	[tilespmem:s19], [sflag:$0x4] =	stream.indirect.gather [hbm4b:s3+s13], $0x80, s29, s13, $0xb8;
	[tilespmem:$0xEF00] =	vst v63  }
0x26: {  	s29 =	simm.s32 $0x0  }
0x27: {  	v7 =	vld [tilespmem:s29+$0x9F00]  }
0x28: {  	v11 =	vld [tilespmem:s29+$0x9F10]  }
0x29: {  	v5 =	vld [tilespmem:s29+$0x9F20]  }
0x2a: {  	v4 =	vld [tilespmem:s29+$0x9F30]  }
0x2b: {  	v3 =	vld [tilespmem:s29+$0x9F40]  }
0x2c: {  	v2 =	vld [tilespmem:s29+$0x9F50]  }
0x2d: {  	v1 =	vld [tilespmem:s29+$0x9F60]  }
0x2e: {  	v0 =	vld [tilespmem:s29+$0x9F70]  }
0x2f: {  	v12 =	vld [tilespmem:s29+$0x4F00]  }
0x30: {  	v13 =	vld [tilespmem:s29+$0x4F10]  }
0x31: {  	v10 =	vld [tilespmem:s29+$0x4F20]  }
0x32: {  	v9 =	vld [tilespmem:s29+$0x4F30]  }
0x33: {  	v8 =	vld [tilespmem:s29+$0x4F40]  }
0x34: {  	v6 =	vld [tilespmem:s29+$0x4F50];
	v12 =	vadd.f32 v7, v12  }
0x35: {  	s30 =	simm.s32 $0x200;
	v11 =	vadd.f32 v11, v13;
	v7 =	vld [tilespmem:s29+$0x4F60]  }
.LBB2_3:
0x36: {  	s31 =	sshra.s32 s30, $0x2;
	p0 =	sne.s32 s30, $0x9E00;
	[tilespmem:s29+$0x4F00] =	vst v12;
	v5 =	vadd.f32 v5, v10;
	v10 =	vld [tilespmem:s29+$0x4F70]  }
0x37: {  	v12 =	vld [tilespmem:s31+$0x9F00];
	[tilespmem:s29+$0x4F10] =	vst v11;
	v4 =	vadd.f32 v4, v9  }
0x38: {  	v11 =	vld [tilespmem:s31+$0x9F10];
	[tilespmem:s29+$0x4F20] =	vst v5;
	v3 =	vadd.f32 v3, v8  }
0x39: {  	v5 =	vld [tilespmem:s31+$0x9F20];
	[tilespmem:s29+$0x4F30] =	vst v4;
	v2 =	vadd.f32 v2, v6  }
0x3a: {  	v4 =	vld [tilespmem:s31+$0x9F30];
	[tilespmem:s29+$0x4F40] =	vst v3;
	v1 =	vadd.f32 v1, v7  }
0x3b: {  	v3 =	vld [tilespmem:s31+$0x9F40];
	[tilespmem:s29+$0x4F50] =	vst v2;
	v0 =	vadd.f32 v0, v10  }
0x3c: {  	v2 =	vld [tilespmem:s31+$0x9F50];
	[tilespmem:s29+$0x4F60] =	vst v1  }
0x3d: {  	v1 =	vld [tilespmem:s31+$0x9F60];
	[tilespmem:s29+$0x4F70] =	vst v0;
	s29 =	smov.u32 s31  }
0x3e: {  	v0 =	vld [tilespmem:s29+$0x9F70]  }
0x3f: {  	v6 =	vld [tilespmem:s29+$0x4F00]  }
0x40: {  	v7 =	vld [tilespmem:s29+$0x4F10]  }
.Ltmp0:
0x41: {  	v10 =	vld [tilespmem:s29+$0x4F20];
	(pc) =	sbr.rel @p0 .LBB2_3-.Ltmp0, $4  }
0x42: {  	v9 =	vld [tilespmem:s29+$0x4F30]  }
0x43: {  	v8 =	vld [tilespmem:s29+$0x4F40]  }
0x44: {  	v12 =	vadd.f32 v12, v6;
	v6 =	vld [tilespmem:s29+$0x4F50]  }
0x45: {  	s30 =	sadd.s32 $0x200, s30;
	v11 =	vadd.f32 v11, v7;
	v7 =	vld [tilespmem:s29+$0x4F60]  }
0x46: {  	[tilespmem:s29+$0x4F00] =	vst v12;
	v5 =	vadd.f32 v5, v10;
	v10 =	vld [tilespmem:s29+$0x4F70]  }
0x47: {  	[tilespmem:s29+$0x4F10] =	vst v11;
	v4 =	vadd.f32 v4, v9  }
0x48: {  	[tilespmem:s29+$0x4F20] =	vst v5;
	v3 =	vadd.f32 v3, v8  }
0x49: {  	[tilespmem:s29+$0x4F30] =	vst v4;
	v2 =	vadd.f32 v2, v6  }
0x4a: {  	[tilespmem:s29+$0x4F40] =	vst v3;
	v1 =	vadd.f32 v1, v7  }
0x4b: {  	s30 =	sadd.s32 s5, s28;
	[tilespmem:s29+$0x4F50] =	vst v2;
	v0 =	vadd.f32 v0, v10  }
0x4c: {  	s30 =	sshll.u32 s30, $0x4;
	[tilespmem:s29+$0x4F60] =	vst v1  }
0x4d: {  	s31 =	simm.s32 $0x0;
	[tilespmem:s29+$0x4F70] =	vst v0;
	s29 =	sadd.s32 s6, s30  }
0x4e: {  	[hbm4b:s29+s31] =	stream.linear.scatter [tilespmem:s14], [sflag:$0x5], $0x2800, $0x38;
	[tilespmem:$0xEF00] =	vst v63  }
0x4f: {  	_ =	swait.ge [sflag:s20], $0x2800  }
0x50: {  	[sflag:s20] =	ssyncset.done $0x0  }
0x51: {  	[sflag:s20] =	ssyncadd.s32 $0xFFFFD800  }
0x52: {  	_ =	swait.ge [sflag:s21], $0x2800  }
0x53: {  	[sflag:s21] =	ssyncset.done $0x0  }
0x54: {  	[sflag:s21] =	ssyncadd.s32 $0xFFFFD800  }
0x55: {  	_ =	swait.ge [sflag:s22], $0x2800  }
0x56: {  	[sflag:s22] =	ssyncset.done $0x0  }
0x57: {  	s29 =	sadd.s32 $0xA0, s28;
	[sflag:s22] =	ssyncadd.s32 $0xFFFFD800  }
0x58: {  	[tilespmem:s14], [sflag:$0x1] =	stream.indirect.gather [hbm4b:s1+s13], $0x80, s29, s13, $0xb8;
	[tilespmem:$0xEF00] =	vst v63  }
0x59: {  	s28 =	sadd.s32 $0x2820, s28  }
0x5a: {  	[tilespmem:s15], [sflag:$0x3] =	stream.indirect.gather [hbm4b:s3+s13], $0x80, s28, s13, $0xb8;
	[tilespmem:$0xEF00] =	vst v63  }
0x5b: {  	s28 =	simm.s32 $0x0  }
0x5c: {  	v7 =	vld [tilespmem:s28+$0xC700]  }
0x5d: {  	v11 =	vld [tilespmem:s28+$0xC710]  }
0x5e: {  	v5 =	vld [tilespmem:s28+$0xC720]  }
0x5f: {  	v4 =	vld [tilespmem:s28+$0xC730]  }
0x60: {  	v3 =	vld [tilespmem:s28+$0xC740]  }
0x61: {  	v2 =	vld [tilespmem:s28+$0xC750]  }
0x62: {  	v1 =	vld [tilespmem:s28+$0xC760]  }
0x63: {  	v0 =	vld [tilespmem:s28+$0xC770]  }
0x64: {  	v12 =	vld [tilespmem:s28+$0x7700]  }
0x65: {  	v13 =	vld [tilespmem:s28+$0x7710]  }
0x66: {  	v10 =	vld [tilespmem:s28+$0x7720]  }
0x67: {  	v9 =	vld [tilespmem:s28+$0x7730]  }
0x68: {  	v8 =	vld [tilespmem:s28+$0x7740]  }
0x69: {  	v6 =	vld [tilespmem:s28+$0x7750];
	v12 =	vadd.f32 v7, v12  }
0x6a: {  	s29 =	simm.s32 $0x200;
	v11 =	vadd.f32 v11, v13;
	v7 =	vld [tilespmem:s28+$0x7760]  }
.LBB2_5:
0x6b: {  	s30 =	sshra.s32 s29, $0x2;
	p0 =	sne.s32 s29, $0x9E00;
	[tilespmem:s28+$0x7700] =	vst v12;
	v5 =	vadd.f32 v5, v10;
	v10 =	vld [tilespmem:s28+$0x7770]  }
0x6c: {  	v12 =	vld [tilespmem:s30+$0xC700];
	[tilespmem:s28+$0x7710] =	vst v11;
	v4 =	vadd.f32 v4, v9  }
0x6d: {  	v11 =	vld [tilespmem:s30+$0xC710];
	[tilespmem:s28+$0x7720] =	vst v5;
	v3 =	vadd.f32 v3, v8  }
0x6e: {  	v5 =	vld [tilespmem:s30+$0xC720];
	[tilespmem:s28+$0x7730] =	vst v4;
	v2 =	vadd.f32 v2, v6  }
0x6f: {  	v4 =	vld [tilespmem:s30+$0xC730];
	[tilespmem:s28+$0x7740] =	vst v3;
	v1 =	vadd.f32 v1, v7  }
0x70: {  	v3 =	vld [tilespmem:s30+$0xC740];
	[tilespmem:s28+$0x7750] =	vst v2;
	v0 =	vadd.f32 v0, v10  }
0x71: {  	v2 =	vld [tilespmem:s30+$0xC750];
	[tilespmem:s28+$0x7760] =	vst v1  }
0x72: {  	v1 =	vld [tilespmem:s30+$0xC760];
	[tilespmem:s28+$0x7770] =	vst v0;
	s28 =	smov.u32 s30  }
0x73: {  	v0 =	vld [tilespmem:s28+$0xC770]  }
0x74: {  	v6 =	vld [tilespmem:s28+$0x7700]  }
0x75: {  	v7 =	vld [tilespmem:s28+$0x7710]  }
.Ltmp1:
0x76: {  	v10 =	vld [tilespmem:s28+$0x7720];
	(pc) =	sbr.rel @p0 .LBB2_5-.Ltmp1, $4  }
0x77: {  	v9 =	vld [tilespmem:s28+$0x7730]  }
0x78: {  	v8 =	vld [tilespmem:s28+$0x7740]  }
0x79: {  	v12 =	vadd.f32 v12, v6;
	v6 =	vld [tilespmem:s28+$0x7750]  }
0x7a: {  	s29 =	sadd.s32 $0x200, s29;
	v11 =	vadd.f32 v11, v7;
	v7 =	vld [tilespmem:s28+$0x7760]  }
0x7b: {  	[tilespmem:s28+$0x7700] =	vst v12;
	v5 =	vadd.f32 v5, v10;
	v63 =	vld [tilespmem:s28+$0x7770]  }
0x7c: {  	[tilespmem:s28+$0x7710] =	vst v11;
	v4 =	vadd.f32 v4, v9  }
0x7d: {  	s25 =	sadd.s32 $0x1, s25;
	[tilespmem:s28+$0x7720] =	vst v5;
	v3 =	vadd.f32 v3, v8  }
0x7e: {  	p0 =	sne.s32 s25, $0x3E;
	[tilespmem:s28+$0x7730] =	vst v4;
	v2 =	vadd.f32 v2, v6  }
.Ltmp2:
0x7f: {  	[tilespmem:s28+$0x7740] =	vst v3;
	v1 =	vadd.f32 v1, v7;
	(pc) =	sbr.rel @p0 .LBB2_2-.Ltmp2, $4  }
0x80: {  	s26 =	sadd.s32 s5, s26;
	[tilespmem:s28+$0x7750] =	vst v2;
	v0 =	vadd.f32 v0, v63  }
0x81: {  	s26 =	sshll.u32 s26, $0x4;
	[tilespmem:s28+$0x7760] =	vst v1  }
0x82: {  	s26 =	sadd.s32 s6, s26;
	[tilespmem:s28+$0x7770] =	vst v0  }
0x83: {  	[hbm4b:s26+s4] =	stream.linear.scatter [tilespmem:s18], [sflag:$0x6], $0x2800, $0x38;
	[tilespmem:$0xEF00] =	vst v63  }
0x84: {  	_ =	swait.ge [sflag:s16], $0x2800  }
0x85: {  	[sflag:s16] =	ssyncset.done $0x0  }
0x86: {  	[sflag:s16] =	ssyncadd.s32 $0xFFFFD800  }
0x87: {  	_ =	swait.ge [sflag:s17], $0x2800  }
0x88: {  	[sflag:s17] =	ssyncset.done $0x0  }
0x89: {  	s25 =	simm.s32 $0x0;
	[sflag:s17] =	ssyncadd.s32 $0xFFFFD800  }
0x8a: {  	v7 =	vld [tilespmem:s25+$0x9F00]  }
0x8b: {  	v11 =	vld [tilespmem:s25+$0x9F10]  }
0x8c: {  	v5 =	vld [tilespmem:s25+$0x9F20]  }
0x8d: {  	v4 =	vld [tilespmem:s25+$0x9F30]  }
0x8e: {  	v3 =	vld [tilespmem:s25+$0x9F40]  }
0x8f: {  	v2 =	vld [tilespmem:s25+$0x9F50]  }
0x90: {  	v1 =	vld [tilespmem:s25+$0x9F60]  }
0x91: {  	v0 =	vld [tilespmem:s25+$0x9F70]  }
0x92: {  	v12 =	vld [tilespmem:s25+$0x4F00]  }
0x93: {  	v13 =	vld [tilespmem:s25+$0x4F10]  }
0x94: {  	v10 =	vld [tilespmem:s25+$0x4F20]  }
0x95: {  	v9 =	vld [tilespmem:s25+$0x4F30]  }
0x96: {  	v8 =	vld [tilespmem:s25+$0x4F40]  }
0x97: {  	v6 =	vld [tilespmem:s25+$0x4F50];
	v12 =	vadd.f32 v7, v12  }
0x98: {  	s26 =	simm.s32 $0x200;
	v11 =	vadd.f32 v11, v13;
	v7 =	vld [tilespmem:s25+$0x4F60]  }
.LBB2_8:
0x99: {  	s28 =	sshra.s32 s26, $0x2;
	p0 =	sne.s32 s26, $0x9E00;
	[tilespmem:s25+$0x4F00] =	vst v12;
	v5 =	vadd.f32 v5, v10;
	v10 =	vld [tilespmem:s25+$0x4F70]  }
0x9a: {  	v12 =	vld [tilespmem:s28+$0x9F00];
	[tilespmem:s25+$0x4F10] =	vst v11;
	v4 =	vadd.f32 v4, v9  }
0x9b: {  	v11 =	vld [tilespmem:s28+$0x9F10];
	[tilespmem:s25+$0x4F20] =	vst v5;
	v3 =	vadd.f32 v3, v8  }
0x9c: {  	v5 =	vld [tilespmem:s28+$0x9F20];
	[tilespmem:s25+$0x4F30] =	vst v4;
	v2 =	vadd.f32 v2, v6  }
0x9d: {  	v4 =	vld [tilespmem:s28+$0x9F30];
	[tilespmem:s25+$0x4F40] =	vst v3;
	v1 =	vadd.f32 v1, v7  }
0x9e: {  	v3 =	vld [tilespmem:s28+$0x9F40];
	[tilespmem:s25+$0x4F50] =	vst v2;
	v0 =	vadd.f32 v0, v10  }
0x9f: {  	v2 =	vld [tilespmem:s28+$0x9F50];
	[tilespmem:s25+$0x4F60] =	vst v1  }
0xa0: {  	v1 =	vld [tilespmem:s28+$0x9F60];
	[tilespmem:s25+$0x4F70] =	vst v0;
	s25 =	smov.u32 s28  }
0xa1: {  	v0 =	vld [tilespmem:s25+$0x9F70]  }
0xa2: {  	v6 =	vld [tilespmem:s25+$0x4F00]  }
0xa3: {  	v7 =	vld [tilespmem:s25+$0x4F10]  }
.Ltmp3:
0xa4: {  	v10 =	vld [tilespmem:s25+$0x4F20];
	(pc) =	sbr.rel @p0 .LBB2_8-.Ltmp3, $4  }
0xa5: {  	v9 =	vld [tilespmem:s25+$0x4F30]  }
0xa6: {  	v8 =	vld [tilespmem:s25+$0x4F40]  }
0xa7: {  	v12 =	vadd.f32 v12, v6;
	v6 =	vld [tilespmem:s25+$0x4F50]  }
0xa8: {  	s26 =	sadd.s32 $0x200, s26;
	v11 =	vadd.f32 v11, v7;
	v7 =	vld [tilespmem:s25+$0x4F60]  }
0xa9: {  	[tilespmem:s25+$0x4F00] =	vst v12;
	v5 =	vadd.f32 v5, v10;
	v63 =	vld [tilespmem:s25+$0x4F70]  }
0xaa: {  	[tilespmem:s25+$0x4F10] =	vst v11;
	v4 =	vadd.f32 v4, v9  }
0xab: {  	[tilespmem:s25+$0x4F20] =	vst v5;
	v3 =	vadd.f32 v3, v8  }
0xac: {  	[tilespmem:s25+$0x4F30] =	vst v4;
	v2 =	vadd.f32 v2, v6  }
0xad: {  	[tilespmem:s25+$0x4F40] =	vst v3;
	v1 =	vadd.f32 v1, v7  }
0xae: {  	[tilespmem:s25+$0x4F50] =	vst v2;
	v0 =	vadd.f32 v0, v63  }
0xaf: {  	[tilespmem:s25+$0x4F60] =	vst v1  }
0xb0: {  	s24 =	sadd.s32 $0x1, s24;
	[tilespmem:s25+$0x4F70] =	vst v0  }
0xb1: {  	[hbm4b:s9+s4] =	stream.linear.scatter [tilespmem:s14], [sflag:$0x5], $0x2800, $0x38;
	[tilespmem:$0xEF00] =	vst v63  }
0xb2: {  	p0 =	sne.s32 s24, s10;
	_ =	swait.ge [sflag:s22], $0x2800  }
.Ltmp4:
0xb3: {  	[sflag:s22] =	ssyncset.done $0x0;
	(pc) =	sbr.rel @p0 .LBB2_1-.Ltmp4, $4  }
0xb4: {  	[sflag:s22] =	ssyncadd.s32 $0xFFFFD800  }
0xb5: {  	_ =	swait.ge [sflag:s23], $0x2800  }
0xb6: {  	[sflag:s23] =	ssyncset.done $0x0  }
0xb7: {  	[sflag:s23] =	ssyncadd.s32 $0xFFFFD800  }
0xb8: {  	_ =	sfence.sel $0x180000  }
0xb9: {  	[bflag:$0x0] =	sbarrier.arrive $0xFFFF  }
0xba: {  	p0 =	sne.s32 s0, $0x0;
	_ =	strace $0x90000047  }
0xbb: {  	s0 =	sadd.s32 @!p0 $0x100000, s2;
	[bflag:$0x2] =	sbarrier.arrive $0xFFFF  }
0xbc: {  	[sflag:s0] =	ssyncadd.tile.s32 @!p0 $0x1;
	_ =	shalt  }
.Lfunc_end2:
_tile_overlayer_lowered:
.L_overlay_start_2:
0xbd: {  	(tag) =	ssettag $0x2  }
0xbe: {  	s0 =	rddreg [dreg:$0x0];
	s2 =	stileid.u32  }
0xbf: {  	s1 =	rddreg [dreg:$0x1];
	p0 =	sne.s32 s2, $0x0  }
0xc0: {  	s3 =	rddreg [dreg:$0x2];
	[bflag:$0x3] =	sbarrier.arrive $0xFFFF;
	s2 =	simm.s32 @!p0 $0x1C07  }
0xc1: {  	[timem:s3], [sflag:s2] =	dma.local @!p0 [hbm:s0], s1  }
0xc2: {  	s0 =	simm.s32 @!p0 $0x7  }
0xc3: {  	_ =	swait.ge @!p0 [sflag:s0], s1  }
0xc4: {  	s1 =	ssub.s32 @!p0 $0x0, s1;
	[sflag:s0] =	ssyncset.done @!p0 $0x0  }
0xc5: {  	[sflag:s0] =	ssyncadd.s32 @!p0 s1  }
0xc6: {  	[bflag:$0x3] =	sbarrier.arrive $0xFFFF  }
0xc7: {  	_ =	shalt  }

</sc_bundles>
